<compile_context>
chip_gen: v7x
topology: tpu7x:2x2x1
jax: 0.10.2.dev20260603
libtpu: 0.0.44.dev20260713+nightly
codegen_flags: <defaults>
</compile_context>

<pallas_src>
import functools

import jax
import jax.numpy as jnp
from jax import lax
from jax.experimental import pallas as pl
from jax.experimental.pallas import tpu as pltpu
from jax.experimental.pallas import tpu_sc as plsc

N = 4096
E = 262144
D = 128

_K = 128


@functools.lru_cache(maxsize=None)
def _build_sc_agg():
    info = plsc.get_sparse_core_info()
    NC, NS = info.num_cores, info.num_subcores
    NW = NC * NS
    EPW = E // NW
    CHUNKS = EPW // _K
    RPS = N // NS
    mesh = plsc.VectorSubcoreMesh(core_axis_name="c", subcore_axis_name="s")

    @functools.partial(
        pl.kernel,
        mesh=mesh,
        out_type=jax.ShapeDtypeStruct((NC * N, D), jnp.float32),
        scratch_types=[
            pltpu.VMEM((_K,), jnp.int32),
            pltpu.VMEM((_K,), jnp.int32),
            pltpu.VMEM((_K, D), jnp.float32),
            pltpu.VMEM_SHARED((N, D), jnp.float32),
            pltpu.SemaphoreType.DMA,
        ],
    )
    def agg_kernel(x_hbm, src_hbm, dst_hbm, zeros_hbm, out_hbm, src_v, dst_v,
                   rows_v, acc_sh, sem):
        c = lax.axis_index("c")
        s = lax.axis_index("s")
        wid = s * NC + c

        zoff = pl.multiple_of(s * RPS, 8)
        pltpu.sync_copy(zeros_hbm.at[pl.ds(zoff, RPS)],
                        acc_sh.at[pl.ds(zoff, RPS)])
        plsc.subcore_barrier()

        base0 = wid * EPW

        def _body(t, carry):
            b = pl.multiple_of(base0 + t * _K, 8)
            pltpu.sync_copy(src_hbm.at[pl.ds(b, _K)], src_v)
            pltpu.sync_copy(dst_hbm.at[pl.ds(b, _K)], dst_v)
            pltpu.async_copy(x_hbm.at[src_v], rows_v, sem).wait()
            pltpu.sync_copy(rows_v, acc_sh.at[dst_v], add=True)
            return carry

        lax.fori_loop(0, CHUNKS, _body, 0)
        plsc.subcore_barrier()

        src_off = pl.multiple_of(s * RPS, 8)
        dst_off = pl.multiple_of(c * N + s * RPS, 8)
        pltpu.sync_copy(acc_sh.at[pl.ds(src_off, RPS)],
                        out_hbm.at[pl.ds(dst_off, RPS)])

    return agg_kernel


def _dense1_body(p_ref, w_ref, b_ref, h_ref):
    agg = p_ref[0] + p_ref[1]
    h = jnp.dot(agg, w_ref[...],
                preferred_element_type=jnp.float32) + b_ref[...]
    h_ref[...] = jnp.maximum(h, 0.0)


def _dense2_body(p_ref, w1_ref, b1_ref, wp1_ref, bp1_ref, wp2_ref, bp2_ref,
                 z1_ref, z2_ref):
    agg = p_ref[0] + p_ref[1]
    h2 = jnp.dot(agg, w1_ref[...],
                 preferred_element_type=jnp.float32) + b1_ref[...]
    z1_ref[...] = jnp.dot(h2, wp1_ref[...],
                          preferred_element_type=jnp.float32) + bp1_ref[...]
    z2_ref[...] = jnp.dot(h2, wp2_ref[...],
                          preferred_element_type=jnp.float32) + bp2_ref[...]


def _decode_body(z1_ref, z2t_ref, o_ref):
    sim = jnp.dot(z1_ref[...], z2t_ref[...],
                  preferred_element_type=jnp.float32)
    o_ref[...] = jax.nn.sigmoid(sim)


_BM = 256


def kernel(adj, x, W_gcn0, b_gcn0, W_gcn1, b_gcn1, W_p1, b_p1, W_p2, b_p2):
    src = adj[0]
    dst = adj[1]
    agg_fn = _build_sc_agg()

    zeros = jnp.zeros((N, D), jnp.float32)
    p0 = agg_fn(x, src, dst, zeros).reshape(2, N, D)
    h = pl.pallas_call(
        _dense1_body,
        out_shape=jax.ShapeDtypeStruct((N, D), jnp.float32),
    )(p0, W_gcn0, b_gcn0.reshape(1, D))

    p1 = agg_fn(h, src, dst, zeros).reshape(2, N, D)
    z1, z2 = pl.pallas_call(
        _dense2_body,
        out_shape=(jax.ShapeDtypeStruct((N, D), jnp.float32),
                   jax.ShapeDtypeStruct((N, D), jnp.float32)),
    )(p1, W_gcn1, b_gcn1.reshape(1, D), W_p1, b_p1.reshape(1, D),
      W_p2, b_p2.reshape(1, D))

    z = pl.pallas_call(
        _decode_body,
        grid=(N // _BM,),
        in_specs=[pl.BlockSpec((_BM, D), lambda i: (i, 0)),
                  pl.BlockSpec((D, N), lambda i: (0, 0))],
        out_specs=pl.BlockSpec((_BM, N), lambda i: (i, 0)),
        out_shape=jax.ShapeDtypeStruct((N, N), jnp.float32),
    )(z1, z2.T)
    return z

# --- scband reference (transcript-rebuilt; emitter-appended) ---
"""Pipeline reference for scband-gvae-8083128451636 (READ-ONLY COPY).

The authoritative reference and input builder live on the scoring server;
editing this copy changes nothing except your own understanding.
"""

import jax, jax.numpy as jnp
import numpy as np

N = 4096
E = 262144
D = 128


def setup_inputs(seed: int = 0) -> dict:
    key = jax.random.key(seed)
    ks = jax.random.split(key, 12)
    x = jax.random.normal(ks[0], (N, D), dtype=jnp.float32)
    adj = jax.random.randint(ks[1], (2, E), 0, N, dtype=jnp.int32)
    s = 1.0 / np.sqrt(D)
    W_gcn0 = jax.random.normal(ks[2], (D, D), dtype=jnp.float32) * s
    b_gcn0 = jnp.zeros((D,), dtype=jnp.float32)
    W_gcn1 = jax.random.normal(ks[3], (D, D), dtype=jnp.float32) * s
    b_gcn1 = jnp.zeros((D,), dtype=jnp.float32)
    W_p1 = jax.random.normal(ks[4], (D, D), dtype=jnp.float32) * s
    b_p1 = jnp.zeros((D,), dtype=jnp.float32)
    W_p2 = jax.random.normal(ks[5], (D, D), dtype=jnp.float32) * s
    b_p2 = jnp.zeros((D,), dtype=jnp.float32)
    return {"adj": adj, "x": x, "W_gcn0": W_gcn0, "b_gcn0": b_gcn0,
            "W_gcn1": W_gcn1, "b_gcn1": b_gcn1, "W_p1": W_p1, "b_p1": b_p1,
            "W_p2": W_p2, "b_p2": b_p2}


def reference(adj, x, W_gcn0, b_gcn0, W_gcn1, b_gcn1, W_p1, b_p1, W_p2, b_p2):
    # GVAE.forward = decode(encode(adj, x)), eval mode (dropout = identity)
    src = adj[0]
    dst = adj[1]
    n = x.shape[0]
    # encode: 2-layer GCN. Each layer: neighbor aggregation (gather src feats,
    # scatter-add to dst) followed by a linear transform; ReLU on hidden layer.
    agg0 = jax.ops.segment_sum(jnp.take(x, src, axis=0), dst, num_segments=n)
    h = jax.nn.relu(agg0 @ W_gcn0 + b_gcn0)
    agg1 = jax.ops.segment_sum(jnp.take(h, src, axis=0), dst, num_segments=n)
    h = agg1 @ W_gcn1 + b_gcn1
    # decode: two 1-layer MLP projections, then sigmoid(z1 @ z2.T)
    z1 = h @ W_p1 + b_p1
    z2 = h @ W_p2 + b_p2
    z = jax.nn.sigmoid(z1 @ z2.T)
    return z

if __name__ == "__main__":
    import jax
    _d = setup_inputs()
    print(jax.jit(kernel)(*tuple(_d.values())))

</pallas_src>

<mosaic_0001>
#map = affine_map<(d0, d1) -> (0, 0)>
#map1 = affine_map<(d0, d1) -> (0)>
module attributes {stable_mosaic.version = 14 : i64} {
  func.func @agg_kernel(%arg0: i32, %arg1: i32, %arg2: memref<4096x128xf32, #tpu.memory_space<hbm>>, %arg3: memref<262144xi32, #tpu.memory_space<hbm>>, %arg4: memref<262144xi32, #tpu.memory_space<hbm>>, %arg5: memref<4096x128xf32, #tpu.memory_space<hbm>>, %arg6: memref<8192x128xf32, #tpu.memory_space<hbm>>, %arg7: memref<128xi32, #tpu.memory_space<vmem>>, %arg8: memref<128xi32, #tpu.memory_space<vmem>>, %arg9: memref<128x128xf32, #tpu.memory_space<vmem>>, %arg10: memref<4096x128xf32, #tpu.memory_space<vmem_shared>>, %arg11: memref<!tpu.dma_semaphore, #tpu.memory_space<semaphore_mem>>) attributes {dimension_semantics = [#tpu.dimension_semantics<core_parallel>, #tpu.dimension_semantics<subcore_parallel>], iteration_bounds = array<i64: 2, 16>, scalar_prefetch = 0 : i64, scratch_operands = 5 : i64, tpu.core_type = #tpu.core_type<sc_vector_subcore>, window_params = [{transform_indices = #map}, {transform_indices = #map1}, {transform_indices = #map1}, {transform_indices = #map}, {transform_indices = #map}]} {
    %mul3A = arith.constant 2 : i32
    %mul3A_0 = arith.muli %arg1, %mul3A : i32
    %add3A = arith.addi %mul3A_0, %arg0 : i32
    %mul3A_1 = arith.constant 256 : i32
    %mul3A_2 = arith.muli %arg1, %mul3A_1 : i32
    %multiple_of3A = tpu.assume_multiple %mul3A_2, 8 : i32
    "tpu.region"() ({
      %run_scoped3A = tpu.sem_alloc : memref<!tpu.dma_semaphore, #tpu.memory_space<semaphore_mem>>
      %dma_start3A = arith.constant 0 : i32
      %dma_start3A_20 = tpu.memref_slice %arg10[%multiple_of3A, %dma_start3A] : memref<4096x128xf32, #tpu.memory_space<vmem_shared>> -> memref<256x128xf32, #tpu.memory_space<vmem_shared>>
      %dma_start3A_21 = arith.constant 0 : i32
      %dma_start3A_22 = tpu.memref_slice %arg5[%multiple_of3A, %dma_start3A_21] : memref<4096x128xf32, #tpu.memory_space<hbm>> -> memref<256x128xf32, #tpu.memory_space<hbm>>
      tpu.enqueue_dma source(%dma_start3A_22 : memref<256x128xf32, #tpu.memory_space<hbm>>) target(%dma_start3A_20 : memref<256x128xf32, #tpu.memory_space<vmem_shared>>) target_semaphore(%run_scoped3A : memref<!tpu.dma_semaphore, #tpu.memory_space<semaphore_mem>>)
      %dma_wait3A = arith.constant 0 : i32
      %dma_wait3A_23 = tpu.memref_slice %arg10[%multiple_of3A, %dma_wait3A] : memref<4096x128xf32, #tpu.memory_space<vmem_shared>> -> memref<256x128xf32, #tpu.memory_space<vmem_shared>>
      %dma_wait3A_24 = arith.constant 0 : i32
      %dma_wait3A_25 = tpu.memref_slice %arg5[%multiple_of3A, %dma_wait3A_24] : memref<4096x128xf32, #tpu.memory_space<hbm>> -> memref<256x128xf32, #tpu.memory_space<hbm>>
      tpu.wait_dma2 semaphore(%run_scoped3A : memref<!tpu.dma_semaphore, #tpu.memory_space<semaphore_mem>>) src(%dma_wait3A_25 : memref<256x128xf32, #tpu.memory_space<hbm>>) dst(%dma_wait3A_23 : memref<256x128xf32, #tpu.memory_space<vmem_shared>>)
      tpu.yield
    }) : () -> ()
    %barrier3A = arith.constant 0 : index
    tpu.barrier barrier_id(%barrier3A)
    %mul3A_3 = arith.constant 8192 : i32
    %mul3A_4 = arith.muli %add3A, %mul3A_3 : i32
    %scan3A = arith.constant 0 : i32
    %scan3A_5 = arith.constant 0 : i32
    %scan3A_6 = arith.constant 64 : i32
    %scan3A_7 = arith.addi %scan3A_5, %scan3A_6 : i32
    %scan3A_8 = arith.constant 1 : i32
    scf.for %scan3A_20 = %scan3A_5 to %scan3A_7 step %scan3A_8  : i32 {
      %mul3A_21 = arith.constant 128 : i32
      %mul3A_22 = arith.muli %scan3A_20, %mul3A_21 : i32
      %add3A_23 = arith.addi %mul3A_4, %mul3A_22 : i32
      %multiple_of3A_24 = tpu.assume_multiple %add3A_23, 8 : i32
      "tpu.region"() ({
        %run_scoped3A = tpu.sem_alloc : memref<!tpu.dma_semaphore, #tpu.memory_space<semaphore_mem>>
        %dma_start3A_29 = tpu.memref_slice %arg3[%multiple_of3A_24] : memref<262144xi32, #tpu.memory_space<hbm>> -> memref<128xi32, #tpu.memory_space<hbm>>
        %dma_start3A_30 = tpu.memref_slice %arg3[%multiple_of3A_24] : memref<262144xi32, #tpu.memory_space<hbm>> -> memref<128xi32, #tpu.memory_space<hbm>>
        tpu.enqueue_dma source(%dma_start3A_30 : memref<128xi32, #tpu.memory_space<hbm>>) target(%arg7 : memref<128xi32, #tpu.memory_space<vmem>>) target_semaphore(%run_scoped3A : memref<!tpu.dma_semaphore, #tpu.memory_space<semaphore_mem>>)
        %dma_wait3A_31 = tpu.memref_slice %arg3[%multiple_of3A_24] : memref<262144xi32, #tpu.memory_space<hbm>> -> memref<128xi32, #tpu.memory_space<hbm>>
        %dma_wait3A_32 = tpu.memref_slice %arg3[%multiple_of3A_24] : memref<262144xi32, #tpu.memory_space<hbm>> -> memref<128xi32, #tpu.memory_space<hbm>>
        tpu.wait_dma2 semaphore(%run_scoped3A : memref<!tpu.dma_semaphore, #tpu.memory_space<semaphore_mem>>) src(%dma_wait3A_32 : memref<128xi32, #tpu.memory_space<hbm>>) dst(%arg7 : memref<128xi32, #tpu.memory_space<vmem>>)
        tpu.yield
      }) : () -> ()
      "tpu.region"() ({
        %run_scoped3A = tpu.sem_alloc : memref<!tpu.dma_semaphore, #tpu.memory_space<semaphore_mem>>
        %dma_start3A_29 = tpu.memref_slice %arg4[%multiple_of3A_24] : memref<262144xi32, #tpu.memory_space<hbm>> -> memref<128xi32, #tpu.memory_space<hbm>>
        %dma_start3A_30 = tpu.memref_slice %arg4[%multiple_of3A_24] : memref<262144xi32, #tpu.memory_space<hbm>> -> memref<128xi32, #tpu.memory_space<hbm>>
        tpu.enqueue_dma source(%dma_start3A_30 : memref<128xi32, #tpu.memory_space<hbm>>) target(%arg8 : memref<128xi32, #tpu.memory_space<vmem>>) target_semaphore(%run_scoped3A : memref<!tpu.dma_semaphore, #tpu.memory_space<semaphore_mem>>)
        %dma_wait3A_31 = tpu.memref_slice %arg4[%multiple_of3A_24] : memref<262144xi32, #tpu.memory_space<hbm>> -> memref<128xi32, #tpu.memory_space<hbm>>
        %dma_wait3A_32 = tpu.memref_slice %arg4[%multiple_of3A_24] : memref<262144xi32, #tpu.memory_space<hbm>> -> memref<128xi32, #tpu.memory_space<hbm>>
        tpu.wait_dma2 semaphore(%run_scoped3A : memref<!tpu.dma_semaphore, #tpu.memory_space<semaphore_mem>>) src(%dma_wait3A_32 : memref<128xi32, #tpu.memory_space<hbm>>) dst(%arg8 : memref<128xi32, #tpu.memory_space<vmem>>)
        tpu.yield
      }) : () -> ()
      %dma_start3A = arith.constant 0 : i32
      %dma_start3A_25 = arith.constant 0 : i32
      %dma_start3A_26 = tpu.memref_slice %arg2[%dma_start3A, %dma_start3A_25] : memref<4096x128xf32, #tpu.memory_space<hbm>> -> memref<4096x128xf32, #tpu.memory_space<hbm>>
      tpu.enqueue_indirect_dma source(%dma_start3A_26 : memref<4096x128xf32, #tpu.memory_space<hbm>>) target(%arg9 : memref<128x128xf32, #tpu.memory_space<vmem>>) offsets(%arg7 : memref<128xi32, #tpu.memory_space<vmem>>) semaphore(%arg11 : memref<!tpu.dma_semaphore, #tpu.memory_space<semaphore_mem>>)
      %dma_wait3A = arith.constant 0 : i32
      %dma_wait3A_27 = arith.constant 0 : i32
      %dma_wait3A_28 = tpu.memref_slice %arg2[%dma_wait3A, %dma_wait3A_27] : memref<4096x128xf32, #tpu.memory_space<hbm>> -> memref<4096x128xf32, #tpu.memory_space<hbm>>
      tpu.wait_indirect_dma semaphore(%arg11 : memref<!tpu.dma_semaphore, #tpu.memory_space<semaphore_mem>>) src(%dma_wait3A_28 : memref<4096x128xf32, #tpu.memory_space<hbm>>) dst(%arg9 : memref<128x128xf32, #tpu.memory_space<vmem>>)
      "tpu.region"() ({
        %run_scoped3A = tpu.sem_alloc : memref<!tpu.dma_semaphore, #tpu.memory_space<semaphore_mem>>
        %dma_start3A_29 = arith.constant 0 : i32
        %dma_start3A_30 = arith.constant 0 : i32
        %dma_start3A_31 = tpu.memref_slice %arg10[%dma_start3A_29, %dma_start3A_30] : memref<4096x128xf32, #tpu.memory_space<vmem_shared>> -> memref<4096x128xf32, #tpu.memory_space<vmem_shared>>
        tpu.enqueue_indirect_dma source(%arg9 : memref<128x128xf32, #tpu.memory_space<vmem>>) target(%dma_start3A_31 : memref<4096x128xf32, #tpu.memory_space<vmem_shared>>) offsets(%arg8 : memref<128xi32, #tpu.memory_space<vmem>>) semaphore(%run_scoped3A : memref<!tpu.dma_semaphore, #tpu.memory_space<semaphore_mem>>) {add = true}
        %dma_wait3A_32 = arith.constant 0 : i32
        %dma_wait3A_33 = arith.constant 0 : i32
        %dma_wait3A_34 = tpu.memref_slice %arg10[%dma_wait3A_32, %dma_wait3A_33] : memref<4096x128xf32, #tpu.memory_space<vmem_shared>> -> memref<4096x128xf32, #tpu.memory_space<vmem_shared>>
        tpu.wait_indirect_dma semaphore(%run_scoped3A : memref<!tpu.dma_semaphore, #tpu.memory_space<semaphore_mem>>) src(%arg9 : memref<128x128xf32, #tpu.memory_space<vmem>>) dst(%dma_wait3A_34 : memref<4096x128xf32, #tpu.memory_space<vmem_shared>>)
        tpu.yield
      }) : () -> ()
    }
    %scan3A_9 = arith.constant 64 : i32
    %barrier3A_10 = arith.constant 0 : index
    tpu.barrier barrier_id(%barrier3A_10)
    %mul3A_11 = arith.constant 256 : i32
    %mul3A_12 = arith.muli %arg1, %mul3A_11 : i32
    %multiple_of3A_13 = tpu.assume_multiple %mul3A_12, 8 : i32
    %mul3A_14 = arith.constant 4096 : i32
    %mul3A_15 = arith.muli %arg0, %mul3A_14 : i32
    %mul3A_16 = arith.constant 256 : i32
    %mul3A_17 = arith.muli %arg1, %mul3A_16 : i32
    %add3A_18 = arith.addi %mul3A_15, %mul3A_17 : i32
    %multiple_of3A_19 = tpu.assume_multiple %add3A_18, 8 : i32
    "tpu.region"() ({
      %run_scoped3A = tpu.sem_alloc : memref<!tpu.dma_semaphore, #tpu.memory_space<semaphore_mem>>
      %dma_start3A = arith.constant 0 : i32
      %dma_start3A_20 = tpu.memref_slice %arg6[%multiple_of3A_19, %dma_start3A] : memref<8192x128xf32, #tpu.memory_space<hbm>> -> memref<256x128xf32, #tpu.memory_space<hbm>>
      %dma_start3A_21 = arith.constant 0 : i32
      %dma_start3A_22 = tpu.memref_slice %arg10[%multiple_of3A_13, %dma_start3A_21] : memref<4096x128xf32, #tpu.memory_space<vmem_shared>> -> memref<256x128xf32, #tpu.memory_space<vmem_shared>>
      tpu.enqueue_dma source(%dma_start3A_22 : memref<256x128xf32, #tpu.memory_space<vmem_shared>>) target(%dma_start3A_20 : memref<256x128xf32, #tpu.memory_space<hbm>>) target_semaphore(%run_scoped3A : memref<!tpu.dma_semaphore, #tpu.memory_space<semaphore_mem>>)
      %dma_wait3A = arith.constant 0 : i32
      %dma_wait3A_23 = tpu.memref_slice %arg6[%multiple_of3A_19, %dma_wait3A] : memref<8192x128xf32, #tpu.memory_space<hbm>> -> memref<256x128xf32, #tpu.memory_space<hbm>>
      %dma_wait3A_24 = arith.constant 0 : i32
      %dma_wait3A_25 = tpu.memref_slice %arg10[%multiple_of3A_13, %dma_wait3A_24] : memref<4096x128xf32, #tpu.memory_space<vmem_shared>> -> memref<256x128xf32, #tpu.memory_space<vmem_shared>>
      tpu.wait_dma2 semaphore(%run_scoped3A : memref<!tpu.dma_semaphore, #tpu.memory_space<semaphore_mem>>) src(%dma_wait3A_25 : memref<256x128xf32, #tpu.memory_space<vmem_shared>>) dst(%dma_wait3A_23 : memref<256x128xf32, #tpu.memory_space<hbm>>)
      tpu.yield
    }) : () -> ()
    return
  }
}

#map = affine_map<(d0, d1) -> (0, 0)>
#map1 = affine_map<(d0, d1) -> (0)>
module attributes {stable_mosaic.version = 14 : i64} {
  func.func @agg_kernel(%arg0: i32, %arg1: i32, %arg2: memref<4096x128xf32, #tpu.memory_space<hbm>>, %arg3: memref<262144xi32, #tpu.memory_space<hbm>>, %arg4: memref<262144xi32, #tpu.memory_space<hbm>>, %arg5: memref<4096x128xf32, #tpu.memory_space<hbm>>, %arg6: memref<8192x128xf32, #tpu.memory_space<hbm>>, %arg7: memref<128xi32, #tpu.memory_space<vmem>>, %arg8: memref<128xi32, #tpu.memory_space<vmem>>, %arg9: memref<128x128xf32, #tpu.memory_space<vmem>>, %arg10: memref<4096x128xf32, #tpu.memory_space<vmem_shared>>, %arg11: memref<!tpu.dma_semaphore, #tpu.memory_space<semaphore_mem>>) attributes {dimension_semantics = [#tpu.dimension_semantics<core_parallel>, #tpu.dimension_semantics<subcore_parallel>], iteration_bounds = array<i64: 2, 16>, scalar_prefetch = 0 : i64, scratch_operands = 5 : i64, tpu.core_type = #tpu.core_type<sc_vector_subcore>, window_params = [{transform_indices = #map}, {transform_indices = #map1}, {transform_indices = #map1}, {transform_indices = #map}, {transform_indices = #map}]} {
    %mul3A = arith.constant 2 : i32
    %mul3A_0 = arith.muli %arg1, %mul3A : i32
    %add3A = arith.addi %mul3A_0, %arg0 : i32
    %mul3A_1 = arith.constant 256 : i32
    %mul3A_2 = arith.muli %arg1, %mul3A_1 : i32
    %multiple_of3A = tpu.assume_multiple %mul3A_2, 8 : i32
    "tpu.region"() ({
      %run_scoped3A = tpu.sem_alloc : memref<!tpu.dma_semaphore, #tpu.memory_space<semaphore_mem>>
      %dma_start3A = arith.constant 0 : i32
      %dma_start3A_20 = tpu.memref_slice %arg10[%multiple_of3A, %dma_start3A] : memref<4096x128xf32, #tpu.memory_space<vmem_shared>> -> memref<256x128xf32, #tpu.memory_space<vmem_shared>>
      %dma_start3A_21 = arith.constant 0 : i32
      %dma_start3A_22 = tpu.memref_slice %arg5[%multiple_of3A, %dma_start3A_21] : memref<4096x128xf32, #tpu.memory_space<hbm>> -> memref<256x128xf32, #tpu.memory_space<hbm>>
      tpu.enqueue_dma source(%dma_start3A_22 : memref<256x128xf32, #tpu.memory_space<hbm>>) target(%dma_start3A_20 : memref<256x128xf32, #tpu.memory_space<vmem_shared>>) target_semaphore(%run_scoped3A : memref<!tpu.dma_semaphore, #tpu.memory_space<semaphore_mem>>)
      %dma_wait3A = arith.constant 0 : i32
      %dma_wait3A_23 = tpu.memref_slice %arg10[%multiple_of3A, %dma_wait3A] : memref<4096x128xf32, #tpu.memory_space<vmem_shared>> -> memref<256x128xf32, #tpu.memory_space<vmem_shared>>
      %dma_wait3A_24 = arith.constant 0 : i32
      %dma_wait3A_25 = tpu.memref_slice %arg5[%multiple_of3A, %dma_wait3A_24] : memref<4096x128xf32, #tpu.memory_space<hbm>> -> memref<256x128xf32, #tpu.memory_space<hbm>>
      tpu.wait_dma2 semaphore(%run_scoped3A : memref<!tpu.dma_semaphore, #tpu.memory_space<semaphore_mem>>) src(%dma_wait3A_25 : memref<256x128xf32, #tpu.memory_space<hbm>>) dst(%dma_wait3A_23 : memref<256x128xf32, #tpu.memory_space<vmem_shared>>)
      tpu.yield
    }) : () -> ()
    %barrier3A = arith.constant 0 : index
    tpu.barrier barrier_id(%barrier3A)
    %mul3A_3 = arith.constant 8192 : i32
    %mul3A_4 = arith.muli %add3A, %mul3A_3 : i32
    %scan3A = arith.constant 0 : i32
    %scan3A_5 = arith.constant 0 : i32
    %scan3A_6 = arith.constant 64 : i32
    %scan3A_7 = arith.addi %scan3A_5, %scan3A_6 : i32
    %scan3A_8 = arith.constant 1 : i32
    scf.for %scan3A_20 = %scan3A_5 to %scan3A_7 step %scan3A_8  : i32 {
      %mul3A_21 = arith.constant 128 : i32
      %mul3A_22 = arith.muli %scan3A_20, %mul3A_21 : i32
      %add3A_23 = arith.addi %mul3A_4, %mul3A_22 : i32
      %multiple_of3A_24 = tpu.assume_multiple %add3A_23, 8 : i32
      "tpu.region"() ({
        %run_scoped3A = tpu.sem_alloc : memref<!tpu.dma_semaphore, #tpu.memory_space<semaphore_mem>>
        %dma_start3A_29 = tpu.memref_slice %arg3[%multiple_of3A_24] : memref<262144xi32, #tpu.memory_space<hbm>> -> memref<128xi32, #tpu.memory_space<hbm>>
        %dma_start3A_30 = tpu.memref_slice %arg3[%multiple_of3A_24] : memref<262144xi32, #tpu.memory_space<hbm>> -> memref<128xi32, #tpu.memory_space<hbm>>
        tpu.enqueue_dma source(%dma_start3A_30 : memref<128xi32, #tpu.memory_space<hbm>>) target(%arg7 : memref<128xi32, #tpu.memory_space<vmem>>) target_semaphore(%run_scoped3A : memref<!tpu.dma_semaphore, #tpu.memory_space<semaphore_mem>>)
        %dma_wait3A_31 = tpu.memref_slice %arg3[%multiple_of3A_24] : memref<262144xi32, #tpu.memory_space<hbm>> -> memref<128xi32, #tpu.memory_space<hbm>>
        %dma_wait3A_32 = tpu.memref_slice %arg3[%multiple_of3A_24] : memref<262144xi32, #tpu.memory_space<hbm>> -> memref<128xi32, #tpu.memory_space<hbm>>
        tpu.wait_dma2 semaphore(%run_scoped3A : memref<!tpu.dma_semaphore, #tpu.memory_space<semaphore_mem>>) src(%dma_wait3A_32 : memref<128xi32, #tpu.memory_space<hbm>>) dst(%arg7 : memref<128xi32, #tpu.memory_space<vmem>>)
        tpu.yield
      }) : () -> ()
      "tpu.region"() ({
        %run_scoped3A = tpu.sem_alloc : memref<!tpu.dma_semaphore, #tpu.memory_space<semaphore_mem>>
        %dma_start3A_29 = tpu.memref_slice %arg4[%multiple_of3A_24] : memref<262144xi32, #tpu.memory_space<hbm>> -> memref<128xi32, #tpu.memory_space<hbm>>
        %dma_start3A_30 = tpu.memref_slice %arg4[%multiple_of3A_24] : memref<262144xi32, #tpu.memory_space<hbm>> -> memref<128xi32, #tpu.memory_space<hbm>>
        tpu.enqueue_dma source(%dma_start3A_30 : memref<128xi32, #tpu.memory_space<hbm>>) target(%arg8 : memref<128xi32, #tpu.memory_space<vmem>>) target_semaphore(%run_scoped3A : memref<!tpu.dma_semaphore, #tpu.memory_space<semaphore_mem>>)
        %dma_wait3A_31 = tpu.memref_slice %arg4[%multiple_of3A_24] : memref<262144xi32, #tpu.memory_space<hbm>> -> memref<128xi32, #tpu.memory_space<hbm>>
        %dma_wait3A_32 = tpu.memref_slice %arg4[%multiple_of3A_24] : memref<262144xi32, #tpu.memory_space<hbm>> -> memref<128xi32, #tpu.memory_space<hbm>>
        tpu.wait_dma2 semaphore(%run_scoped3A : memref<!tpu.dma_semaphore, #tpu.memory_space<semaphore_mem>>) src(%dma_wait3A_32 : memref<128xi32, #tpu.memory_space<hbm>>) dst(%arg8 : memref<128xi32, #tpu.memory_space<vmem>>)
        tpu.yield
      }) : () -> ()
      %dma_start3A = arith.constant 0 : i32
      %dma_start3A_25 = arith.constant 0 : i32
      %dma_start3A_26 = tpu.memref_slice %arg2[%dma_start3A, %dma_start3A_25] : memref<4096x128xf32, #tpu.memory_space<hbm>> -> memref<4096x128xf32, #tpu.memory_space<hbm>>
      tpu.enqueue_indirect_dma source(%dma_start3A_26 : memref<4096x128xf32, #tpu.memory_space<hbm>>) target(%arg9 : memref<128x128xf32, #tpu.memory_space<vmem>>) offsets(%arg7 : memref<128xi32, #tpu.memory_space<vmem>>) semaphore(%arg11 : memref<!tpu.dma_semaphore, #tpu.memory_space<semaphore_mem>>)
      %dma_wait3A = arith.constant 0 : i32
      %dma_wait3A_27 = arith.constant 0 : i32
      %dma_wait3A_28 = tpu.memref_slice %arg2[%dma_wait3A, %dma_wait3A_27] : memref<4096x128xf32, #tpu.memory_space<hbm>> -> memref<4096x128xf32, #tpu.memory_space<hbm>>
      tpu.wait_indirect_dma semaphore(%arg11 : memref<!tpu.dma_semaphore, #tpu.memory_space<semaphore_mem>>) src(%dma_wait3A_28 : memref<4096x128xf32, #tpu.memory_space<hbm>>) dst(%arg9 : memref<128x128xf32, #tpu.memory_space<vmem>>)
      "tpu.region"() ({
        %run_scoped3A = tpu.sem_alloc : memref<!tpu.dma_semaphore, #tpu.memory_space<semaphore_mem>>
        %dma_start3A_29 = arith.constant 0 : i32
        %dma_start3A_30 = arith.constant 0 : i32
        %dma_start3A_31 = tpu.memref_slice %arg10[%dma_start3A_29, %dma_start3A_30] : memref<4096x128xf32, #tpu.memory_space<vmem_shared>> -> memref<4096x128xf32, #tpu.memory_space<vmem_shared>>
        tpu.enqueue_indirect_dma source(%arg9 : memref<128x128xf32, #tpu.memory_space<vmem>>) target(%dma_start3A_31 : memref<4096x128xf32, #tpu.memory_space<vmem_shared>>) offsets(%arg8 : memref<128xi32, #tpu.memory_space<vmem>>) semaphore(%run_scoped3A : memref<!tpu.dma_semaphore, #tpu.memory_space<semaphore_mem>>) {add = true}
        %dma_wait3A_32 = arith.constant 0 : i32
        %dma_wait3A_33 = arith.constant 0 : i32
        %dma_wait3A_34 = tpu.memref_slice %arg10[%dma_wait3A_32, %dma_wait3A_33] : memref<4096x128xf32, #tpu.memory_space<vmem_shared>> -> memref<4096x128xf32, #tpu.memory_space<vmem_shared>>
        tpu.wait_indirect_dma semaphore(%run_scoped3A : memref<!tpu.dma_semaphore, #tpu.memory_space<semaphore_mem>>) src(%arg9 : memref<128x128xf32, #tpu.memory_space<vmem>>) dst(%dma_wait3A_34 : memref<4096x128xf32, #tpu.memory_space<vmem_shared>>)
        tpu.yield
      }) : () -> ()
    }
    %scan3A_9 = arith.constant 64 : i32
    %barrier3A_10 = arith.constant 0 : index
    tpu.barrier barrier_id(%barrier3A_10)
    %mul3A_11 = arith.constant 256 : i32
    %mul3A_12 = arith.muli %arg1, %mul3A_11 : i32
    %multiple_of3A_13 = tpu.assume_multiple %mul3A_12, 8 : i32
    %mul3A_14 = arith.constant 4096 : i32
    %mul3A_15 = arith.muli %arg0, %mul3A_14 : i32
    %mul3A_16 = arith.constant 256 : i32
    %mul3A_17 = arith.muli %arg1, %mul3A_16 : i32
    %add3A_18 = arith.addi %mul3A_15, %mul3A_17 : i32
    %multiple_of3A_19 = tpu.assume_multiple %add3A_18, 8 : i32
    "tpu.region"() ({
      %run_scoped3A = tpu.sem_alloc : memref<!tpu.dma_semaphore, #tpu.memory_space<semaphore_mem>>
      %dma_start3A = arith.constant 0 : i32
      %dma_start3A_20 = tpu.memref_slice %arg6[%multiple_of3A_19, %dma_start3A] : memref<8192x128xf32, #tpu.memory_space<hbm>> -> memref<256x128xf32, #tpu.memory_space<hbm>>
      %dma_start3A_21 = arith.constant 0 : i32
      %dma_start3A_22 = tpu.memref_slice %arg10[%multiple_of3A_13, %dma_start3A_21] : memref<4096x128xf32, #tpu.memory_space<vmem_shared>> -> memref<256x128xf32, #tpu.memory_space<vmem_shared>>
      tpu.enqueue_dma source(%dma_start3A_22 : memref<256x128xf32, #tpu.memory_space<vmem_shared>>) target(%dma_start3A_20 : memref<256x128xf32, #tpu.memory_space<hbm>>) target_semaphore(%run_scoped3A : memref<!tpu.dma_semaphore, #tpu.memory_space<semaphore_mem>>)
      %dma_wait3A = arith.constant 0 : i32
      %dma_wait3A_23 = tpu.memref_slice %arg6[%multiple_of3A_19, %dma_wait3A] : memref<8192x128xf32, #tpu.memory_space<hbm>> -> memref<256x128xf32, #tpu.memory_space<hbm>>
      %dma_wait3A_24 = arith.constant 0 : i32
      %dma_wait3A_25 = tpu.memref_slice %arg10[%multiple_of3A_13, %dma_wait3A_24] : memref<4096x128xf32, #tpu.memory_space<vmem_shared>> -> memref<256x128xf32, #tpu.memory_space<vmem_shared>>
      tpu.wait_dma2 semaphore(%run_scoped3A : memref<!tpu.dma_semaphore, #tpu.memory_space<semaphore_mem>>) src(%dma_wait3A_25 : memref<256x128xf32, #tpu.memory_space<vmem_shared>>) dst(%dma_wait3A_23 : memref<256x128xf32, #tpu.memory_space<hbm>>)
      tpu.yield
    }) : () -> ()
    return
  }
}

module attributes {stable_mosaic.version = 14 : i64} {
  func.func @_dense2_body(%arg0: memref<2x4096x128xf32, #tpu.memory_space<vmem>>, %arg1: memref<128x128xf32, #tpu.memory_space<vmem>>, %arg2: memref<1x128xf32, #tpu.memory_space<vmem>>, %arg3: memref<128x128xf32, #tpu.memory_space<vmem>>, %arg4: memref<1x128xf32, #tpu.memory_space<vmem>>, %arg5: memref<128x128xf32, #tpu.memory_space<vmem>>, %arg6: memref<1x128xf32, #tpu.memory_space<vmem>>, %arg7: memref<4096x128xf32, #tpu.memory_space<vmem>>, %arg8: memref<4096x128xf32, #tpu.memory_space<vmem>>) attributes {dimension_semantics = [], scalar_prefetch = 0 : i64, scratch_operands = 0 : i64, tpu.core_type = #tpu.core_type<tc>} {
    %get3A = arith.constant 0 : index
    %get3A_0 = arith.constant 0 : index
    %get3A_1 = arith.constant 0 : index
    %get3A_2 = vector.load %arg0[%get3A, %get3A_0, %get3A_1] : memref<2x4096x128xf32, #tpu.memory_space<vmem>>, vector<1x4096x128xf32>
    %get3A_3 = vector.shape_cast %get3A_2 : vector<1x4096x128xf32> to vector<4096x128xf32>
    %get3A_4 = arith.constant 1 : index
    %get3A_5 = arith.constant 0 : index
    %get3A_6 = arith.constant 0 : index
    %get3A_7 = vector.load %arg0[%get3A_4, %get3A_5, %get3A_6] : memref<2x4096x128xf32, #tpu.memory_space<vmem>>, vector<1x4096x128xf32>
    %get3A_8 = vector.shape_cast %get3A_7 : vector<1x4096x128xf32> to vector<4096x128xf32>
    %add3A = arith.addf %get3A_3, %get3A_8 : vector<4096x128xf32>
    %get3A_9 = arith.constant 0 : index
    %get3A_10 = arith.constant 0 : index
    %get3A_11 = vector.load %arg1[%get3A_9, %get3A_10] : memref<128x128xf32, #tpu.memory_space<vmem>>, vector<128x128xf32>
    %dot_general3A = arith.constant dense<0.000000e+00> : vector<4096x128xf32>
    %dot_general3A_12 = tpu.matmul %add3A, %get3A_11, %dot_general3A {dimension_numbers = #tpu.dot_dimension_numbers<[1], [0], [0], [1], [0, 0, 1, 1], [], []>, transpose_lhs_hint = false} : vector<4096x128xf32>, vector<128x128xf32>, vector<4096x128xf32> -> vector<4096x128xf32>
    %get3A_13 = arith.constant 0 : index
    %get3A_14 = arith.constant 0 : index
    %get3A_15 = vector.load %arg2[%get3A_13, %get3A_14] : memref<1x128xf32, #tpu.memory_space<vmem>>, vector<1x128xf32>
    %add3A_16 = vector.broadcast %get3A_15 : vector<1x128xf32> to vector<4096x128xf32>
    %add3A_17 = arith.addf %dot_general3A_12, %add3A_16 : vector<4096x128xf32>
    %get3A_18 = arith.constant 0 : index
    %get3A_19 = arith.constant 0 : index
    %get3A_20 = vector.load %arg3[%get3A_18, %get3A_19] : memref<128x128xf32, #tpu.memory_space<vmem>>, vector<128x128xf32>
    %dot_general3A_21 = arith.constant dense<0.000000e+00> : vector<4096x128xf32>
    %dot_general3A_22 = tpu.matmul %add3A_17, %get3A_20, %dot_general3A_21 {dimension_numbers = #tpu.dot_dimension_numbers<[1], [0], [0], [1], [0, 0, 1, 1], [], []>, transpose_lhs_hint = false} : vector<4096x128xf32>, vector<128x128xf32>, vector<4096x128xf32> -> vector<4096x128xf32>
    %get3A_23 = arith.constant 0 : index
    %get3A_24 = arith.constant 0 : index
    %get3A_25 = vector.load %arg4[%get3A_23, %get3A_24] : memref<1x128xf32, #tpu.memory_space<vmem>>, vector<1x128xf32>
    %add3A_26 = vector.broadcast %get3A_25 : vector<1x128xf32> to vector<4096x128xf32>
    %add3A_27 = arith.addf %dot_general3A_22, %add3A_26 : vector<4096x128xf32>
    %swap3A = arith.constant 0 : index
    %swap3A_28 = arith.constant 0 : index
    %swap3A_29 = vector.load %arg7[%swap3A, %swap3A_28] : memref<4096x128xf32, #tpu.memory_space<vmem>>, vector<4096x128xf32>
    tpu.vector_store %arg7[%swap3A, %swap3A_28], %add3A_27 {strides = array<i32>} : memref<4096x128xf32, #tpu.memory_space<vmem>>, vector<4096x128xf32>,
    %get3A_30 = arith.constant 0 : index
    %get3A_31 = arith.constant 0 : index
    %get3A_32 = vector.load %arg5[%get3A_30, %get3A_31] : memref<128x128xf32, #tpu.memory_space<vmem>>, vector<128x128xf32>
    %dot_general3A_33 = arith.constant dense<0.000000e+00> : vector<4096x128xf32>
    %dot_general3A_34 = tpu.matmul %add3A_17, %get3A_32, %dot_general3A_33 {dimension_numbers = #tpu.dot_dimension_numbers<[1], [0], [0], [1], [0, 0, 1, 1], [], []>, transpose_lhs_hint = false} : vector<4096x128xf32>, vector<128x128xf32>, vector<4096x128xf32> -> vector<4096x128xf32>
    %get3A_35 = arith.constant 0 : index
    %get3A_36 = arith.constant 0 : index
    %get3A_37 = vector.load %arg6[%get3A_35, %get3A_36] : memref<1x128xf32, #tpu.memory_space<vmem>>, vector<1x128xf32>
    %add3A_38 = vector.broadcast %get3A_37 : vector<1x128xf32> to vector<4096x128xf32>
    %add3A_39 = arith.addf %dot_general3A_34, %add3A_38 : vector<4096x128xf32>
    %swap3A_40 = arith.constant 0 : index
    %swap3A_41 = arith.constant 0 : index
    %swap3A_42 = vector.load %arg8[%swap3A_40, %swap3A_41] : memref<4096x128xf32, #tpu.memory_space<vmem>>, vector<4096x128xf32>
    tpu.vector_store %arg8[%swap3A_40, %swap3A_41], %add3A_39 {strides = array<i32>} : memref<4096x128xf32, #tpu.memory_space<vmem>>, vector<4096x128xf32>,
    return
  }
}

module attributes {stable_mosaic.version = 14 : i64} {
  func.func @_dense1_body(%arg0: memref<2x4096x128xf32, #tpu.memory_space<vmem>>, %arg1: memref<128x128xf32, #tpu.memory_space<vmem>>, %arg2: memref<1x128xf32, #tpu.memory_space<vmem>>, %arg3: memref<4096x128xf32, #tpu.memory_space<vmem>>) attributes {dimension_semantics = [], scalar_prefetch = 0 : i64, scratch_operands = 0 : i64, tpu.core_type = #tpu.core_type<tc>} {
    %get3A = arith.constant 0 : index
    %get3A_0 = arith.constant 0 : index
    %get3A_1 = arith.constant 0 : index
    %get3A_2 = vector.load %arg0[%get3A, %get3A_0, %get3A_1] : memref<2x4096x128xf32, #tpu.memory_space<vmem>>, vector<1x4096x128xf32>
    %get3A_3 = vector.shape_cast %get3A_2 : vector<1x4096x128xf32> to vector<4096x128xf32>
    %get3A_4 = arith.constant 1 : index
    %get3A_5 = arith.constant 0 : index
    %get3A_6 = arith.constant 0 : index
    %get3A_7 = vector.load %arg0[%get3A_4, %get3A_5, %get3A_6] : memref<2x4096x128xf32, #tpu.memory_space<vmem>>, vector<1x4096x128xf32>
    %get3A_8 = vector.shape_cast %get3A_7 : vector<1x4096x128xf32> to vector<4096x128xf32>
    %add3A = arith.addf %get3A_3, %get3A_8 : vector<4096x128xf32>
    %get3A_9 = arith.constant 0 : index
    %get3A_10 = arith.constant 0 : index
    %get3A_11 = vector.load %arg1[%get3A_9, %get3A_10] : memref<128x128xf32, #tpu.memory_space<vmem>>, vector<128x128xf32>
    %dot_general3A = arith.constant dense<0.000000e+00> : vector<4096x128xf32>
    %dot_general3A_12 = tpu.matmul %add3A, %get3A_11, %dot_general3A {dimension_numbers = #tpu.dot_dimension_numbers<[1], [0], [0], [1], [0, 0, 1, 1], [], []>, transpose_lhs_hint = false} : vector<4096x128xf32>, vector<128x128xf32>, vector<4096x128xf32> -> vector<4096x128xf32>
    %get3A_13 = arith.constant 0 : index
    %get3A_14 = arith.constant 0 : index
    %get3A_15 = vector.load %arg2[%get3A_13, %get3A_14] : memref<1x128xf32, #tpu.memory_space<vmem>>, vector<1x128xf32>
    %add3A_16 = vector.broadcast %get3A_15 : vector<1x128xf32> to vector<4096x128xf32>
    %add3A_17 = arith.addf %dot_general3A_12, %add3A_16 : vector<4096x128xf32>
    %max3A = arith.constant 0.000000e+00 : f32
    %max3A_18 = vector.broadcast %max3A : f32 to vector<4096x128xf32>
    %max3A_19 = arith.maximumf %add3A_17, %max3A_18 : vector<4096x128xf32>
    %swap3A = arith.constant 0 : index
    %swap3A_20 = arith.constant 0 : index
    %swap3A_21 = vector.load %arg3[%swap3A, %swap3A_20] : memref<4096x128xf32, #tpu.memory_space<vmem>>, vector<4096x128xf32>
    tpu.vector_store %arg3[%swap3A, %swap3A_20], %max3A_19 {strides = array<i32>} : memref<4096x128xf32, #tpu.memory_space<vmem>>, vector<4096x128xf32>,
    return
  }
}

module attributes {stable_mosaic.version = 14 : i64} {
  func.func @_decode_body(%arg0: i32, %arg1: memref<256x128xf32, #tpu.memory_space<vmem>>, %arg2: memref<128x4096xf32, #tpu.memory_space<vmem>>, %arg3: memref<256x4096xf32, #tpu.memory_space<vmem>>) attributes {dimension_semantics = [#tpu.dimension_semantics<arbitrary>], iteration_bounds = array<i64: 16>, scalar_prefetch = 0 : i64, scratch_operands = 0 : i64, tpu.core_type = #tpu.core_type<tc>, window_params = [{transform_indices = @transform_0, window_bounds = array<i64: 256, 128>}, {pipeline_mode = #tpu.pipeline_mode<synchronous>, transform_indices = @transform_1, window_bounds = array<i64: 128, 4096>}, {transform_indices = @transform_2, window_bounds = array<i64: 256, 4096>}]} {
    %get3A = arith.constant 0 : index
    %get3A_0 = arith.constant 0 : index
    %get3A_1 = vector.load %arg1[%get3A, %get3A_0] : memref<256x128xf32, #tpu.memory_space<vmem>>, vector<256x128xf32>
    %get3A_2 = arith.constant 0 : index
    %get3A_3 = arith.constant 0 : index
    %get3A_4 = vector.load %arg2[%get3A_2, %get3A_3] : memref<128x4096xf32, #tpu.memory_space<vmem>>, vector<128x4096xf32>
    %dot_general3A = arith.constant dense<0.000000e+00> : vector<256x4096xf32>
    %dot_general3A_5 = tpu.matmul %get3A_1, %get3A_4, %dot_general3A {dimension_numbers = #tpu.dot_dimension_numbers<[1], [0], [0], [1], [0, 0, 1, 1], [], []>, transpose_lhs_hint = false} : vector<256x128xf32>, vector<128x4096xf32>, vector<256x4096xf32> -> vector<256x4096xf32>
    %logistic3A = arith.negf %dot_general3A_5 : vector<256x4096xf32>
    %logistic3A_6 = math.exp %logistic3A : vector<256x4096xf32>
    %logistic3A_7 = arith.constant 1.000000e+00 : f32
    %logistic3A_8 = vector.broadcast %logistic3A_7 : f32 to vector<256x4096xf32>
    %logistic3A_9 = arith.addf %logistic3A_8, %logistic3A_6 : vector<256x4096xf32>
    %logistic3A_10 = arith.divf %logistic3A_8, %logistic3A_9 : vector<256x4096xf32>
    %swap3A = arith.constant 0 : index
    %swap3A_11 = arith.constant 0 : index
    %swap3A_12 = vector.load %arg3[%swap3A, %swap3A_11] : memref<256x4096xf32, #tpu.memory_space<vmem>>, vector<256x4096xf32>
    tpu.vector_store %arg3[%swap3A, %swap3A_11], %logistic3A_10 {strides = array<i32>} : memref<256x4096xf32, #tpu.memory_space<vmem>>, vector<256x4096xf32>,
    return
  }
  func.func @transform_0(%arg0: i32) -> (i32, i32) {
    %c0_i32 = arith.constant 0 : i32
    %c0_i32_0 = arith.constant 0 : i32
    return %arg0, %c0_i32 : i32, i32
  }
  func.func @transform_1(%arg0: i32) -> (i32, i32) {
    %c0_i32 = arith.constant 0 : i32
    %c0_i32_0 = arith.constant 0 : i32
    %c0_i32_1 = arith.constant 0 : i32
    return %c0_i32, %c0_i32_0 : i32, i32
  }
  func.func @transform_2(%arg0: i32) -> (i32, i32) {
    %c0_i32 = arith.constant 0 : i32
    %c0_i32_0 = arith.constant 0 : i32
    return %arg0, %c0_i32 : i32, i32
  }
}

</mosaic_0001>

<sc_bundles>
// kernel: kernel.10.cloned.1.call-start
scs
__scs_entry_jumppad:
0x0: {  	(pc) =	sbr.rel $0x88, $3  }
0x1: {  	(tag) =	ssettag $0x0;
	lr =	simm.s32 $0x1  }
0x2: {  	[smem:$0x3F97] =	sst lr;
	_ =	strace $0xD0000000  }
0x3: {  	_ = 	snop  }
0x4: {  	_ = 	snop  }
0x5: {  	_ = 	snop  }
0x6: {  	_ = 	snop  }
0x7: {  	_ = 	snop  }
__scs_overlays_trampoline_lowered:
0x8: {  	[smem:$0x3FA6] =	sst s0  }
0x9: {  	[smem:$0x3FA7] =	sst s1  }
0xa: {  	[smem:$0x3FA8] =	sst s2  }
0xb: {  	[smem:$0x3FA9] =	sst s3  }
0xc: {  	[smem:$0x3FAA] =	sst s4  }
0xd: {  	[smem:$0x3FAB] =	sst s5  }
0xe: {  	[smem:$0x3FAC] =	sst s6  }
0xf: {  	[smem:$0x3FAD] =	sst s7  }
0x10: {  	[smem:$0x3FAE] =	sst s8  }
0x11: {  	[smem:$0x3FAF] =	sst s9;
	s0 =	simm.s32 @!p0 $0x0  }
0x12: {  	s1 =	sld [smem:$0x3F95];
	s0 =	simm.s32 @p0 $0x1  }
0x13: {  	[smem:$0x3FB0] =	sst s0;
	s0 =	simm.s32 @!p1 $0x0  }
0x14: {  	s2 =	sld [smem:$0x3F94];
	s0 =	simm.s32 @p1 $0x1  }
0x15: {  	[smem:$0x3FB1] =	sst s0;
	s0 =	simm.s32 @!p2 $0x0  }
0x16: {  	s3 =	sld [smem:$0x3FDB];
	s0 =	simm.s32 @p2 $0x1  }
0x17: {  	s4 =	simm.s32 $0x1BF5;
	[smem:$0x3FB3] =	sst s0  }
0x18: {  	s0 =	sld [smem:$0x3F96];
	_ =	swait.ge [sflag:s4], $0x0  }
0x19: {  	s7 =	sld [smem:$0x3F97]  }
0x1a: {  	s8 =	sadd.s32 $0xFFFFE003, lr  }
0x1b: {  	s9 =	sadd.s32 $0xFFFFFEF7, lr;
	s5 =	simm.s32 $0xFFFFFFFF;
	p2 =	slt.u32 s8, $0xFFFFF086  }
0x1c: {  	p1 =	slt.u32 s9, $0xF7A;
	s5 =	simm.s32 @!p2 $0x0  }
0x1d: {  	s5 =	simm.s32 @p1 $0x1;
	p0 =	seq.s32 s7, s2  }
0x1e: {  	s7 =	smul.u32 @!p0 $0xF7A, s2;
	p2 =	seq.s32 @!p0 s5, $0x0  }
0x1f: {  	s9 =	smul.u32 $0xF7A, s1;
	s8 =	simm.s32 @!p0 $0x1BF5;
	p2 =	por !p2, p0  }
0x20: {  	[sflag:s8] =	ssyncset.s32 @!p0 $0xFFFFF086;
	s6 =	sadd.s32 @!p0 s3, s7;
	s7 =	simm.s32 @!p0 $0x108  }
0x21: {  	s3 =	sadd.s32 s3, s9;
	s6 =	sadd.s32 @!p0 $0x88, s6;
	s7 =	simm.s32 @p2 $0x1082  }
0x22: {  	[simem:s7], [sflag:s8] =	dma.local @!p0 [hbm:s6], $0xF7A  }
0x23: {  	s9 =	sor.u32 $0xD0000000, s2;
	s6 =	simm.s32 $0x108;
	_ =	swait.ge @!p0 [sflag:s8], $0x0  }
0x24: {  	s3 =	sadd.s32 $0x88, s3;
	s6 =	simm.s32 @!p1 $0x1082;
	[sflag:s4] =	ssyncset.s32 $0xFFFFF086  }
0x25: {  	[simem:s6], [sflag:s4] =	dma.local [hbm:s3], $0xF7A  }
0x26: {  	[smem:$0x3F97] =	sst s1;
	(tag) =	ssettag s2;
	_ =	strace s9  }
0x27: {  	s1 =	sld [smem:$0x3FA7]  }
0x28: {  	s2 =	sld [smem:$0x3FA8]  }
0x29: {  	s4 =	sld [smem:$0x3FAA]  }
0x2a: {  	p0 =	seq.s32 s5, $0x0;
	s5 =	sld [smem:$0x3FAB]  }
0x2b: {  	s6 =	sld [smem:$0x3FAC]  }
0x2c: {  	s7 =	sld [smem:$0x3FAD]  }
0x2d: {  	s3 =	simm.s32 $0x108;
	s8 =	sld [smem:$0x3FAE]  }
0x2e: {  	s3 =	simm.s32 @!p0 $0x1082;
	s9 =	sld [smem:$0x3FAF]  }
0x2f: {  	lr =	sadd.s32 s0, s3;
	s0 =	sld [smem:$0x3FA6]  }
0x30: {  	s3 =	sld [smem:$0x3FA9]  }
0x31: {  	[smem:$0x3FB2] =	sst s10  }
0x32: {  	s10 =	sld [smem:$0x3FB0];
	_ =	sdelay $0x3  }
0x33: {  	p0 =	seq.s32 s10, $0x1;
	s10 =	sld [smem:$0x3FB2];
	_ =	sdelay $0x3  }
0x34: {  	[smem:$0x3FB2] =	sst s10  }
0x35: {  	s10 =	sld [smem:$0x3FB1];
	_ =	sdelay $0x3  }
0x36: {  	p1 =	seq.s32 s10, $0x1;
	s10 =	sld [smem:$0x3FB2];
	_ =	sdelay $0x3  }
0x37: {  	[smem:$0x3FB2] =	sst s10  }
0x38: {  	s10 =	sld [smem:$0x3FB3]  }
0x39: {  	_ = 	snop;
	(pc) =	sbr.ind lr, $3  }
0x3a: {  	_ = 	snop  }
0x3b: {  	_ = 	snop  }
0x3c: {  	p2 =	seq.s32 s10, $0x1;
	s10 =	sld [smem:$0x3FB2]  }
0x3d: {  	_ =	shalt  }
0x3e: {  	_ =	shalt  }
0x3f: {  	_ =	shalt  }
0x40: {  	_ =	shalt  }
0x41: {  	_ =	shalt  }
0x42: {  	_ =	shalt  }
0x43: {  	_ =	shalt  }
0x44: {  	_ =	shalt  }
0x45: {  	_ =	shalt  }
0x46: {  	_ =	shalt  }
0x47: {  	_ =	shalt  }
0x48: {  	_ =	shalt  }
0x49: {  	_ =	shalt  }
0x4a: {  	_ =	shalt  }
0x4b: {  	_ =	shalt  }
0x4c: {  	_ =	shalt  }
0x4d: {  	_ =	shalt  }
0x4e: {  	_ =	shalt  }
0x4f: {  	_ =	shalt  }
0x50: {  	_ =	shalt  }
0x51: {  	_ =	shalt  }
0x52: {  	_ =	shalt  }
0x53: {  	_ =	shalt  }
0x54: {  	_ =	shalt  }
0x55: {  	_ =	shalt  }
0x56: {  	_ =	shalt  }
0x57: {  	_ =	shalt  }
0x58: {  	_ =	shalt  }
0x59: {  	_ =	shalt  }
0x5a: {  	_ =	shalt  }
0x5b: {  	_ =	shalt  }
0x5c: {  	_ =	shalt  }
0x5d: {  	_ =	shalt  }
0x5e: {  	_ =	shalt  }
0x5f: {  	_ =	shalt  }
0x60: {  	_ =	shalt  }
0x61: {  	_ =	shalt  }
0x62: {  	_ =	shalt  }
0x63: {  	_ =	shalt  }
0x64: {  	_ =	shalt  }
0x65: {  	_ =	shalt  }
0x66: {  	_ =	shalt  }
0x67: {  	_ =	shalt  }
0x68: {  	_ =	shalt  }
0x69: {  	_ =	shalt  }
0x6a: {  	_ =	shalt  }
0x6b: {  	_ =	shalt  }
0x6c: {  	_ =	shalt  }
0x6d: {  	_ =	shalt  }
0x6e: {  	_ =	shalt  }
0x6f: {  	_ =	shalt  }
0x70: {  	_ =	shalt  }
0x71: {  	_ =	shalt  }
0x72: {  	_ =	shalt  }
0x73: {  	_ =	shalt  }
0x74: {  	_ =	shalt  }
0x75: {  	_ =	shalt  }
0x76: {  	_ =	shalt  }
0x77: {  	_ =	shalt  }
0x78: {  	_ =	shalt  }
0x79: {  	_ =	shalt  }
0x7a: {  	_ =	shalt  }
0x7b: {  	_ =	shalt  }
0x7c: {  	_ =	shalt  }
0x7d: {  	_ =	shalt  }
0x7e: {  	_ =	shalt  }
0x7f: {  	_ =	shalt  }
0x80: {  	_ =	shalt  }
0x81: {  	_ =	shalt  }
0x82: {  	_ =	shalt  }
0x83: {  	_ =	shalt  }
0x84: {  	_ =	shalt  }
0x85: {  	_ =	shalt  }
0x86: {  	_ =	shalt  }
0x87: {  	_ =	shalt  }
.Lfunc_end0:
.L_simem_size_0:
called_computation.1_lowered:
.L_overlay_start_0:
0x88: {  	s2 =	sld [smem:$0x3FD9]  }
0x89: {  	s3 =	sld [smem:$0x3FFE];
	_ =	sdelay $0x1  }
0x8a: {  	s1 =	srdreg.scid  }
0x8b: {  	s0 =	sand.u32 $0x1, s1  }
0x8c: {  	s17 =	sshll.u32 s0, $0xA;
	s2 =	sadd.s32 s3, s2  }
0x8d: {  	s2 =	sadd.s32 s2, s17  }
0x8e: {  	[smem:$0x3FBE] =	sst s2  }
0x8f: {  	_ = 	snop  }
0x90: {  	s2 =	sld [smem:$0x3FD0];
	(tm) =	ssettm $0x1  }
0x91: {  	s18 =	sld [smem:$0x3FFB];
	_ =	sdelay $0x3  }
0x92: {  	_ =	strace s18  }
0x93: {  	s3 =	sld [smem:$0x3FFC];
	_ =	sdelay $0x3  }
0x94: {  	_ =	strace s3  }
0x95: {  	s3 =	sld [smem:$0x3FFD];
	_ =	sdelay $0x3  }
0x96: {  	_ =	strace s3  }
0x97: {  	_ =	strace $0x8FFFFFFF  }
0x98: {  	s19 =	sld [smem:$0x3FDB];
	_ =	sdelay $0x1  }
0x99: {  	s4 =	simm.s32 $_scs_section_size  }
0x9a: {  	s5 =	simm.s32 $_size__tile_overlayer_lowered;
	s6 =	simm.s32 $_tile_overlayer_lowered  }
0x9b: {  	s22 =	simm.s32 $0x1BFF;
	s21 =	sshll.u32 s6, $0x1;
	s3 =	sadd.s32 s4, s19  }
0x9c: {  	s7 =	simm.s32 $0x0;
	s20 =	sshll.u32 s5, $0x1;
	s5 =	sadd.s32 s21, s3  }
0x9d: {  	[timem:s7], [sflag:s22] =	dma.local [hbm:s5], s20  }
0x9e: {  	_ =	swait.ge [sflag:s22], s20  }
0x9f: {  	s4 =	ssub.s32 $0x0, s20;
	[sflag:s22] =	ssyncset.done $0x0  }
0xa0: {  	[sflag:s22] =	ssyncadd.s32 s4;
	_ =	sdelay $0x1  }
0xa1: {  	s23 =	simm.s32 $0x1B8B  }
0xa2: {  	_ =	swait.ge [sflag:s23], $0x1  }
0xa3: {  	[sflag:s23] =	ssyncset.done $0x0  }
0xa4: {  	s25 =	simm.s32 $0x1B8E;
	s24 =	sld [smem:$0x3FFE];
	[sflag:s23] =	ssyncadd.s32 $0xFFFFFFFF  }
0xa5: {  	s26 =	simm.s32 $execute0_lowered;
	[smem:$0x3FD2] =	sst s25  }
0xa6: {  	s5 =	sshll.u32 s26, $0x1;
	_ =	strace $0x80000049;
	[dreg:$0x1] =	wrdreg $0xFFFFFFFF  }
0xa7: {  	s28 =	simm.s32 $_size_execute0_lowered;
	s3 =	sadd.s32 s3, s5;
	[dreg:$0x0] =	wrdreg $0x0  }
0xa8: {  	s5 =	sshll.u32 s28, $0x1;
	[dreg:$0x2] =	wrdreg s3  }
0xa9: {  	[dreg:$0x3] =	wrdreg s5  }
0xaa: {  	[dreg:$0x4] =	wrdreg $0xC0  }
0xab: {  	_ =	task [dreg:s7], $0x5FFFF  }
0xac: {  	[dreg:$0x1] =	wrdreg $0xFFFFFFFF  }
0xad: {  	[dreg:$0x0] =	wrdreg $0x60  }
0xae: {  	[dreg:$0x2] =	wrdreg s24  }
0xaf: {  	[dreg:$0x3] =	wrdreg s2  }
0xb0: {  	[dreg:$0x4] =	wrdreg $0x41000  }
0xb1: {  	[dreg:$0x5] =	wrdreg $0x9  }
0xb2: {  	_ =	task.clear_ibuf [dreg:s7], $0x6FFFF;
	_ =	strace $0x90000049  }
0xb3: {  	s29 =	simm.s32 $0x9;
	_ =	strace $0x8000004B  }
0xb4: {  	_ =	swait.ge [sflag:s29], $0x1  }
0xb5: {  	[sflag:s29] =	ssyncadd.s32 $0xFFFFFFFF  }
0xb6: {  	_ =	strace $0x9000004B  }
0xb7: {  	_ =	sfence  }
0xb8: {  	s30 =	sld [smem:$0x0];
	_ =	sdelay $0x2  }
0xb9: {  	s31 =	sshll.u32 s1, $0xD;
	s1 =	sshrl.u32 s1, $0x2  }
0xba: {  	s3 =	sand.u32 $0x4000, s31;
	s1 =	sadd.s32 s1, s30  }
0xbb: {  	s0 =	sor.u32 s3, s0;
	s1 =	sshll.u32 s1, $0x11  }
0xbc: {  	s0 =	sor.u32 s1, s0  }
0xbd: {  	s0 =	sadd.s32 $0x8F2B, s0  }
0xbe: {  	[sflag:s0] =	ssyncadd.remote.s32 $0x1  }
0xbf: {  	_ =	sfence.sel $0xFFFF  }
0xc0: {  	[dreg:$0x0] =	wrdreg $0xFFFFFFFF;
	(pc) =	sbr.abs _section_cstart, $3  }
0xc1: {  	[dreg:$0x1] =	wrdreg $0xFFFFFFFF  }
0xc2: {  	_ =	task.clear_ibuf [dreg:s7], $0x2FFFF;
	_ =	strace $0x9FFFFFFF  }
0xc3: {  	(tm) =	ssettm $0x7FFFFFFF  }
tec
execute0_lowered:
.L_overlay_start_1:
0x0: {  	(tag) =	ssettag $0x1  }
0x1: {  	s5 =	rddreg [dreg:$0x0]  }
0x2: {  	s6 =	rddreg [dreg:$0x1]  }
0x3: {  	s1 =	rddreg [dreg:$0x2]  }
0x4: {  	s0 =	rddreg [dreg:$0x3]  }
0x5: {  	s3 =	simm.s32 $0x0;
	s4 =	srdreg.scid;
	s2 =	stileid.u32  }
0x6: {  	s14 =	simm.s32 $0x100;
	s15 =	simm.s32 $0x1;
	s16 =	simm.s32 $0x0  }
0x7: {  	[smem:$0x7FF] =	sst s3;
	s7 =	sand.u32 $0x1, s4;
	s4 =	sadd.s32 $0x22200, s5  }
0x8: {  	s8 =	sshll.u32 s2, $0xB;
	s10 =	sshll.u32 s2, $0xC;
	s30 =	sshll.u32 s2, $0xF  }
0x9: {  	s12 =	sshll.u32 s2, $0x6;
	_ =	strace $0x8000004A;
	s9 =	ssub.s32 $0x2, s7  }
0xa: {  	s8 =	sadd.s32 s8, s5;
	s5 =	sadd.s32 s10, s5;
	s13 =	sshll.u32 s7, $0xA  }
0xb: {  	s7 =	sshll.u32 s7, $0x10;
	s10 =	sadd.s32 s6, s10;
	s6 =	sor.u32 $0x1C02, s12  }
0xc: {  	s12 =	simm.s32 $0x2;
	s11 =	sshrl.u32 s9, $0x1;
	s5 =	sadd.s32 $0x12200, s5  }
0xd: {  	s7 =	sadd.s32 s7, s10;
	s31 =	sadd.s32 s13, s8;
	s13 =	simm.s32 $0x80  }
0xe: {  	s9 =	ssub.s32 s9, s11;
	s11 =	sadd.s32 s30, s1;
	s10 =	sadd.s32 $0xA200, s31  }
0xf: {  	s8 =	smax.u32 s9, $0x1;
	s9 =	sadd.s32 $0x2200, s31;
	s11 =	sshrl.u32 s11, $0x3  }
.LBB2_1:
0x10: {  	[spmem:s11], [sflag:s6] =	dma.local [hbm:s5], $0x1000  }
0x11: {  	_ =	swait.ge [sflag:s12], $0x1000  }
0x12: {  	[sflag:s12] =	ssyncset.done $0x0  }
0x13: {  	[sflag:s12] =	ssyncadd.s32 $0xFFFFF000  }
0x14: {  	s17 =	sadd.s32 $0x0, s10;
	[bflag:$0x0] =	sbarrier.arrive $0xFFFF  }
0x15: {  	[tilespmem:s3], [sflag:$0x2] =	stream.linear.gather [hbm4b:s17+s3], $0x80, $0x38;
	[tilespmem:$0xC100] =	vst v63  }
0x16: {  	_ =	swait.ge [sflag:s12], $0x80  }
0x17: {  	[sflag:s12] =	ssyncset.done $0x0  }
0x18: {  	s31 =	sadd.s32 $0x0, s9;
	[sflag:s12] =	ssyncadd.s32 $0xFFFFFF80  }
0x19: {  	[tilespmem:s13], [sflag:$0x2] =	stream.linear.gather [hbm4b:s31+s3], $0x80, $0x38;
	[tilespmem:$0xC100] =	vst v63  }
0x1a: {  	_ =	swait.ge [sflag:s12], $0x80  }
0x1b: {  	[sflag:s12] =	ssyncset.done $0x0  }
0x1c: {  	[sflag:s12] =	ssyncadd.s32 $0xFFFFFF80  }
0x1d: {  	[tilespmem:s14], [sflag:$0x1] =	stream.indirect.gather [hbm4b:s4+s13], $0x80, s3, s13, $0xb8;
	[tilespmem:$0xC100] =	vst v63  }
0x1e: {  	_ =	swait.ge [sflag:s15], $0x4000  }
0x1f: {  	[sflag:s15] =	ssyncset.done $0x0  }
0x20: {  	[sflag:s15] =	ssyncadd.s32 $0xFFFFC000  }
0x21: {  	[spmem:s1] =	stream.indirect.scatter.add.f32 [tilespmem:s14], [sflag:$0x2], $0x80, s13, s13, $0xb8;
	[tilespmem:$0xC100] =	vst v63  }
0x22: {  	_ =	swait.ge [sflag:s12], $0x4000  }
0x23: {  	s18 =	simm.s32 $0x20;
	s17 =	simm.s32 $0x10;
	[sflag:s12] =	ssyncset.done $0x0  }
.LBB2_2:
0x24: {  	s19 =	sadd.s32 s17, s10  }
0x25: {  	[sflag:s12] =	ssyncadd.s32 $0xFFFFC000;
	s20 =	smov.u32 s18;
	s21 =	sadd.s32 $0x10, s18  }
0x26: {  	[tilespmem:s3], [sflag:$0x2] =	stream.linear.gather [hbm4b:s19+s3], $0x80, $0x38;
	[tilespmem:$0xC100] =	vst v63  }
0x27: {  	p0 =	sne.s32 s18, $0x3F0;
	_ =	swait.ge [sflag:s12], $0x80  }
0x28: {  	[sflag:s12] =	ssyncset.done $0x0  }
0x29: {  	s18 =	sadd.s32 s17, s9;
	s17 =	smov.u32 s20;
	[sflag:s12] =	ssyncadd.s32 $0xFFFFFF80  }
0x2a: {  	[tilespmem:s13], [sflag:$0x2] =	stream.linear.gather [hbm4b:s18+s3], $0x80, $0x38;
	[tilespmem:$0xC100] =	vst v63  }
0x2b: {  	_ =	swait.ge [sflag:s12], $0x80  }
0x2c: {  	[sflag:s12] =	ssyncset.done $0x0  }
0x2d: {  	[sflag:s12] =	ssyncadd.s32 $0xFFFFFF80  }
0x2e: {  	[tilespmem:s14], [sflag:$0x1] =	stream.indirect.gather [hbm4b:s4+s13], $0x80, s3, s13, $0xb8;
	[tilespmem:$0xC100] =	vst v63  }
0x2f: {  	_ =	swait.ge [sflag:s15], $0x4000  }
.Ltmp0:
0x30: {  	[sflag:s15] =	ssyncset.done $0x0;
	(pc) =	sbr.rel @p0 .LBB2_2-.Ltmp0, $4  }
0x31: {  	[sflag:s15] =	ssyncadd.s32 $0xFFFFC000  }
0x32: {  	[spmem:s1] =	stream.indirect.scatter.add.f32 [tilespmem:s14], [sflag:$0x2], $0x80, s13, s13, $0xb8;
	[tilespmem:$0xC100] =	vst v63  }
0x33: {  	_ =	swait.ge [sflag:s12], $0x4000  }
0x34: {  	s18 =	smov.u32 s21;
	[sflag:s12] =	ssyncset.done $0x0  }
0x35: {  	s18 =	sadd.s32 s17, s10;
	[sflag:s12] =	ssyncadd.s32 $0xFFFFC000  }
0x36: {  	[tilespmem:s3], [sflag:$0x2] =	stream.linear.gather [hbm4b:s18+s3], $0x80, $0x38;
	[tilespmem:$0xC100] =	vst v63  }
0x37: {  	_ =	swait.ge [sflag:s12], $0x80  }
0x38: {  	[sflag:s12] =	ssyncset.done $0x0  }
0x39: {  	s31 =	sadd.s32 s17, s9;
	[sflag:s12] =	ssyncadd.s32 $0xFFFFFF80  }
0x3a: {  	[tilespmem:s13], [sflag:$0x2] =	stream.linear.gather [hbm4b:s31+s3], $0x80, $0x38;
	[tilespmem:$0xC100] =	vst v63  }
0x3b: {  	_ =	swait.ge [sflag:s12], $0x80  }
0x3c: {  	[sflag:s12] =	ssyncset.done $0x0  }
0x3d: {  	[sflag:s12] =	ssyncadd.s32 $0xFFFFFF80  }
0x3e: {  	[tilespmem:s14], [sflag:$0x1] =	stream.indirect.gather [hbm4b:s4+s13], $0x80, s3, s13, $0xb8;
	[tilespmem:$0xC100] =	vst v63  }
0x3f: {  	_ =	swait.ge [sflag:s15], $0x4000  }
0x40: {  	[sflag:s15] =	ssyncset.done $0x0  }
0x41: {  	[sflag:s15] =	ssyncadd.s32 $0xFFFFC000  }
0x42: {  	[spmem:s1] =	stream.indirect.scatter.add.f32 [tilespmem:s14], [sflag:$0x2], $0x80, s13, s13, $0xb8;
	[tilespmem:$0xC100] =	vst v63  }
0x43: {  	_ =	swait.ge [sflag:s12], $0x4000  }
0x44: {  	s16 =	sadd.s32 $0x1, s16;
	[sflag:s12] =	ssyncset.done $0x0  }
0x45: {  	p0 =	sne.s32 s16, s8;
	[sflag:s12] =	ssyncadd.s32 $0xFFFFC000  }
.Ltmp1:
0x46: {  	[bflag:$0x0] =	sbarrier.arrive $0xFFFF;
	(pc) =	sbr.rel @p0 .LBB2_1-.Ltmp1, $4  }
0x47: {  	[hbm:s7], [sflag:s6] =	dma.local [spmem:s11], $0x1000  }
0x48: {  	_ =	swait.ge [sflag:s12], $0x1000  }
0x49: {  	[sflag:s12] =	ssyncset.done $0x0  }
0x4a: {  	[sflag:s12] =	ssyncadd.s32 $0xFFFFF000  }
0x4b: {  	_ =	sfence.sel $0x180000  }
0x4c: {  	[bflag:$0x0] =	sbarrier.arrive $0xFFFF  }
0x4d: {  	p0 =	sne.s32 s2, $0x0;
	_ =	strace $0x9000004A  }
0x4e: {  	s0 =	sadd.s32 @!p0 $0x100000, s0;
	[bflag:$0x2] =	sbarrier.arrive $0xFFFF  }
0x4f: {  	[sflag:s0] =	ssyncadd.tile.s32 @!p0 $0x1;
	_ =	shalt  }
.Lfunc_end2:
_tile_overlayer_lowered:
.L_overlay_start_2:
0x50: {  	(tag) =	ssettag $0x2  }
0x51: {  	s0 =	rddreg [dreg:$0x0];
	s2 =	stileid.u32  }
0x52: {  	s1 =	rddreg [dreg:$0x1];
	p0 =	sne.s32 s2, $0x0  }
0x53: {  	s3 =	rddreg [dreg:$0x2];
	[bflag:$0x3] =	sbarrier.arrive $0xFFFF;
	s2 =	simm.s32 @!p0 $0x1C02  }
0x54: {  	[timem:s3], [sflag:s2] =	dma.local @!p0 [hbm:s0], s1  }
0x55: {  	s0 =	simm.s32 @!p0 $0x2  }
0x56: {  	_ =	swait.ge @!p0 [sflag:s0], s1  }
0x57: {  	s1 =	ssub.s32 @!p0 $0x0, s1;
	[sflag:s0] =	ssyncset.done @!p0 $0x0  }
0x58: {  	[sflag:s0] =	ssyncadd.s32 @!p0 s1  }
0x59: {  	[bflag:$0x3] =	sbarrier.arrive $0xFFFF  }
0x5a: {  	_ =	shalt  }

// kernel: kernel.7.cloned.1.call-start
scs
__scs_entry_jumppad:
0x0: {  	(pc) =	sbr.rel $0x88, $3  }
0x1: {  	(tag) =	ssettag $0x0;
	lr =	simm.s32 $0x1  }
0x2: {  	[smem:$0x3F97] =	sst lr;
	_ =	strace $0xD0000000  }
0x3: {  	_ = 	snop  }
0x4: {  	_ = 	snop  }
0x5: {  	_ = 	snop  }
0x6: {  	_ = 	snop  }
0x7: {  	_ = 	snop  }
__scs_overlays_trampoline_lowered:
0x8: {  	[smem:$0x3FA6] =	sst s0  }
0x9: {  	[smem:$0x3FA7] =	sst s1  }
0xa: {  	[smem:$0x3FA8] =	sst s2  }
0xb: {  	[smem:$0x3FA9] =	sst s3  }
0xc: {  	[smem:$0x3FAA] =	sst s4  }
0xd: {  	[smem:$0x3FAB] =	sst s5  }
0xe: {  	[smem:$0x3FAC] =	sst s6  }
0xf: {  	[smem:$0x3FAD] =	sst s7  }
0x10: {  	[smem:$0x3FAE] =	sst s8  }
0x11: {  	[smem:$0x3FAF] =	sst s9;
	s0 =	simm.s32 @!p0 $0x0  }
0x12: {  	s1 =	sld [smem:$0x3F95];
	s0 =	simm.s32 @p0 $0x1  }
0x13: {  	[smem:$0x3FB0] =	sst s0;
	s0 =	simm.s32 @!p1 $0x0  }
0x14: {  	s2 =	sld [smem:$0x3F94];
	s0 =	simm.s32 @p1 $0x1  }
0x15: {  	[smem:$0x3FB1] =	sst s0;
	s0 =	simm.s32 @!p2 $0x0  }
0x16: {  	s3 =	sld [smem:$0x3FDB];
	s0 =	simm.s32 @p2 $0x1  }
0x17: {  	s4 =	simm.s32 $0x1BF5;
	[smem:$0x3FB3] =	sst s0  }
0x18: {  	s0 =	sld [smem:$0x3F96];
	_ =	swait.ge [sflag:s4], $0x0  }
0x19: {  	s7 =	sld [smem:$0x3F97]  }
0x1a: {  	s8 =	sadd.s32 $0xFFFFE003, lr  }
0x1b: {  	s9 =	sadd.s32 $0xFFFFFEF7, lr;
	s5 =	simm.s32 $0xFFFFFFFF;
	p2 =	slt.u32 s8, $0xFFFFF086  }
0x1c: {  	p1 =	slt.u32 s9, $0xF7A;
	s5 =	simm.s32 @!p2 $0x0  }
0x1d: {  	s5 =	simm.s32 @p1 $0x1;
	p0 =	seq.s32 s7, s2  }
0x1e: {  	s7 =	smul.u32 @!p0 $0xF7A, s2;
	p2 =	seq.s32 @!p0 s5, $0x0  }
0x1f: {  	s9 =	smul.u32 $0xF7A, s1;
	s8 =	simm.s32 @!p0 $0x1BF5;
	p2 =	por !p2, p0  }
0x20: {  	[sflag:s8] =	ssyncset.s32 @!p0 $0xFFFFF086;
	s6 =	sadd.s32 @!p0 s3, s7;
	s7 =	simm.s32 @!p0 $0x108  }
0x21: {  	s3 =	sadd.s32 s3, s9;
	s6 =	sadd.s32 @!p0 $0x88, s6;
	s7 =	simm.s32 @p2 $0x1082  }
0x22: {  	[simem:s7], [sflag:s8] =	dma.local @!p0 [hbm:s6], $0xF7A  }
0x23: {  	s9 =	sor.u32 $0xD0000000, s2;
	s6 =	simm.s32 $0x108;
	_ =	swait.ge @!p0 [sflag:s8], $0x0  }
0x24: {  	s3 =	sadd.s32 $0x88, s3;
	s6 =	simm.s32 @!p1 $0x1082;
	[sflag:s4] =	ssyncset.s32 $0xFFFFF086  }
0x25: {  	[simem:s6], [sflag:s4] =	dma.local [hbm:s3], $0xF7A  }
0x26: {  	[smem:$0x3F97] =	sst s1;
	(tag) =	ssettag s2;
	_ =	strace s9  }
0x27: {  	s1 =	sld [smem:$0x3FA7]  }
0x28: {  	s2 =	sld [smem:$0x3FA8]  }
0x29: {  	s4 =	sld [smem:$0x3FAA]  }
0x2a: {  	p0 =	seq.s32 s5, $0x0;
	s5 =	sld [smem:$0x3FAB]  }
0x2b: {  	s6 =	sld [smem:$0x3FAC]  }
0x2c: {  	s7 =	sld [smem:$0x3FAD]  }
0x2d: {  	s3 =	simm.s32 $0x108;
	s8 =	sld [smem:$0x3FAE]  }
0x2e: {  	s3 =	simm.s32 @!p0 $0x1082;
	s9 =	sld [smem:$0x3FAF]  }
0x2f: {  	lr =	sadd.s32 s0, s3;
	s0 =	sld [smem:$0x3FA6]  }
0x30: {  	s3 =	sld [smem:$0x3FA9]  }
0x31: {  	[smem:$0x3FB2] =	sst s10  }
0x32: {  	s10 =	sld [smem:$0x3FB0];
	_ =	sdelay $0x3  }
0x33: {  	p0 =	seq.s32 s10, $0x1;
	s10 =	sld [smem:$0x3FB2];
	_ =	sdelay $0x3  }
0x34: {  	[smem:$0x3FB2] =	sst s10  }
0x35: {  	s10 =	sld [smem:$0x3FB1];
	_ =	sdelay $0x3  }
0x36: {  	p1 =	seq.s32 s10, $0x1;
	s10 =	sld [smem:$0x3FB2];
	_ =	sdelay $0x3  }
0x37: {  	[smem:$0x3FB2] =	sst s10  }
0x38: {  	s10 =	sld [smem:$0x3FB3]  }
0x39: {  	_ = 	snop;
	(pc) =	sbr.ind lr, $3  }
0x3a: {  	_ = 	snop  }
0x3b: {  	_ = 	snop  }
0x3c: {  	p2 =	seq.s32 s10, $0x1;
	s10 =	sld [smem:$0x3FB2]  }
0x3d: {  	_ =	shalt  }
0x3e: {  	_ =	shalt  }
0x3f: {  	_ =	shalt  }
0x40: {  	_ =	shalt  }
0x41: {  	_ =	shalt  }
0x42: {  	_ =	shalt  }
0x43: {  	_ =	shalt  }
0x44: {  	_ =	shalt  }
0x45: {  	_ =	shalt  }
0x46: {  	_ =	shalt  }
0x47: {  	_ =	shalt  }
0x48: {  	_ =	shalt  }
0x49: {  	_ =	shalt  }
0x4a: {  	_ =	shalt  }
0x4b: {  	_ =	shalt  }
0x4c: {  	_ =	shalt  }
0x4d: {  	_ =	shalt  }
0x4e: {  	_ =	shalt  }
0x4f: {  	_ =	shalt  }
0x50: {  	_ =	shalt  }
0x51: {  	_ =	shalt  }
0x52: {  	_ =	shalt  }
0x53: {  	_ =	shalt  }
0x54: {  	_ =	shalt  }
0x55: {  	_ =	shalt  }
0x56: {  	_ =	shalt  }
0x57: {  	_ =	shalt  }
0x58: {  	_ =	shalt  }
0x59: {  	_ =	shalt  }
0x5a: {  	_ =	shalt  }
0x5b: {  	_ =	shalt  }
0x5c: {  	_ =	shalt  }
0x5d: {  	_ =	shalt  }
0x5e: {  	_ =	shalt  }
0x5f: {  	_ =	shalt  }
0x60: {  	_ =	shalt  }
0x61: {  	_ =	shalt  }
0x62: {  	_ =	shalt  }
0x63: {  	_ =	shalt  }
0x64: {  	_ =	shalt  }
0x65: {  	_ =	shalt  }
0x66: {  	_ =	shalt  }
0x67: {  	_ =	shalt  }
0x68: {  	_ =	shalt  }
0x69: {  	_ =	shalt  }
0x6a: {  	_ =	shalt  }
0x6b: {  	_ =	shalt  }
0x6c: {  	_ =	shalt  }
0x6d: {  	_ =	shalt  }
0x6e: {  	_ =	shalt  }
0x6f: {  	_ =	shalt  }
0x70: {  	_ =	shalt  }
0x71: {  	_ =	shalt  }
0x72: {  	_ =	shalt  }
0x73: {  	_ =	shalt  }
0x74: {  	_ =	shalt  }
0x75: {  	_ =	shalt  }
0x76: {  	_ =	shalt  }
0x77: {  	_ =	shalt  }
0x78: {  	_ =	shalt  }
0x79: {  	_ =	shalt  }
0x7a: {  	_ =	shalt  }
0x7b: {  	_ =	shalt  }
0x7c: {  	_ =	shalt  }
0x7d: {  	_ =	shalt  }
0x7e: {  	_ =	shalt  }
0x7f: {  	_ =	shalt  }
0x80: {  	_ =	shalt  }
0x81: {  	_ =	shalt  }
0x82: {  	_ =	shalt  }
0x83: {  	_ =	shalt  }
0x84: {  	_ =	shalt  }
0x85: {  	_ =	shalt  }
0x86: {  	_ =	shalt  }
0x87: {  	_ =	shalt  }
.Lfunc_end0:
.L_simem_size_0:
called_computation_lowered:
.L_overlay_start_0:
0x88: {  	s2 =	sld [smem:$0x3FD9]  }
0x89: {  	s3 =	sld [smem:$0x3FFE];
	_ =	sdelay $0x1  }
0x8a: {  	s1 =	srdreg.scid  }
0x8b: {  	s0 =	sand.u32 $0x1, s1  }
0x8c: {  	s17 =	sshll.u32 s0, $0xA;
	s2 =	sadd.s32 s3, s2  }
0x8d: {  	s2 =	sadd.s32 s2, s17  }
0x8e: {  	[smem:$0x3FBE] =	sst s2  }
0x8f: {  	_ = 	snop  }
0x90: {  	s2 =	sld [smem:$0x3FC8]  }
0x91: {  	s18 =	sld [smem:$0x3FD0];
	(tm) =	ssettm $0x1  }
0x92: {  	s4 =	sld [smem:$0x3FFB];
	_ =	sdelay $0x3  }
0x93: {  	_ =	strace s4  }
0x94: {  	s4 =	sld [smem:$0x3FFC];
	_ =	sdelay $0x3  }
0x95: {  	_ =	strace s4  }
0x96: {  	s4 =	sld [smem:$0x3FFD];
	_ =	sdelay $0x3  }
0x97: {  	_ =	strace s4  }
0x98: {  	_ =	strace $0x8FFFFFFF  }
0x99: {  	s19 =	sld [smem:$0x3FDB];
	_ =	sdelay $0x1  }
0x9a: {  	s5 =	simm.s32 $_scs_section_size  }
0x9b: {  	s6 =	simm.s32 $_size__tile_overlayer_lowered;
	s7 =	simm.s32 $_tile_overlayer_lowered  }
0x9c: {  	s22 =	simm.s32 $0x1BFF;
	s21 =	sshll.u32 s7, $0x1;
	s4 =	sadd.s32 s5, s19  }
0x9d: {  	s8 =	simm.s32 $0x0;
	s20 =	sshll.u32 s6, $0x1;
	s6 =	sadd.s32 s21, s4  }
0x9e: {  	[timem:s8], [sflag:s22] =	dma.local [hbm:s6], s20  }
0x9f: {  	_ =	swait.ge [sflag:s22], s20  }
0xa0: {  	s5 =	ssub.s32 $0x0, s20;
	[sflag:s22] =	ssyncset.done $0x0  }
0xa1: {  	[sflag:s22] =	ssyncadd.s32 s5;
	_ =	sdelay $0x1  }
0xa2: {  	s23 =	simm.s32 $0x1B8B  }
0xa3: {  	_ =	swait.ge [sflag:s23], $0x1  }
0xa4: {  	[sflag:s23] =	ssyncset.done $0x0  }
0xa5: {  	s25 =	simm.s32 $0x1B8E;
	s24 =	sld [smem:$0x3FFE];
	[sflag:s23] =	ssyncadd.s32 $0xFFFFFFFF  }
0xa6: {  	s26 =	simm.s32 $execute0_lowered;
	[smem:$0x3FD2] =	sst s25  }
0xa7: {  	s6 =	sshll.u32 s26, $0x1;
	_ =	strace $0x80000046;
	[dreg:$0x1] =	wrdreg $0xFFFFFFFF  }
0xa8: {  	s28 =	simm.s32 $_size_execute0_lowered;
	s4 =	sadd.s32 s4, s6;
	[dreg:$0x0] =	wrdreg $0x0  }
0xa9: {  	s6 =	sshll.u32 s28, $0x1;
	[dreg:$0x2] =	wrdreg s4  }
0xaa: {  	[dreg:$0x3] =	wrdreg s6  }
0xab: {  	[dreg:$0x4] =	wrdreg $0xC0  }
0xac: {  	_ =	task [dreg:s8], $0x5FFFF  }
0xad: {  	[dreg:$0x1] =	wrdreg $0xFFFFFFFF  }
0xae: {  	[dreg:$0x0] =	wrdreg $0x60  }
0xaf: {  	[dreg:$0x2] =	wrdreg s2  }
0xb0: {  	[dreg:$0x3] =	wrdreg s24  }
0xb1: {  	[dreg:$0x4] =	wrdreg s18  }
0xb2: {  	[dreg:$0x5] =	wrdreg $0x41000  }
0xb3: {  	[dreg:$0x6] =	wrdreg $0x9  }
0xb4: {  	_ =	task.clear_ibuf [dreg:s8], $0x7FFFF;
	_ =	strace $0x90000046  }
0xb5: {  	s29 =	simm.s32 $0x9;
	_ =	strace $0x80000048  }
0xb6: {  	_ =	swait.ge [sflag:s29], $0x1  }
0xb7: {  	[sflag:s29] =	ssyncadd.s32 $0xFFFFFFFF  }
0xb8: {  	_ =	strace $0x90000048  }
0xb9: {  	_ =	sfence  }
0xba: {  	s30 =	sld [smem:$0x0];
	_ =	sdelay $0x2  }
0xbb: {  	s31 =	sshll.u32 s1, $0xD;
	s1 =	sshrl.u32 s1, $0x2  }
0xbc: {  	s3 =	sand.u32 $0x4000, s31;
	s1 =	sadd.s32 s1, s30  }
0xbd: {  	s0 =	sor.u32 s3, s0;
	s1 =	sshll.u32 s1, $0x11  }
0xbe: {  	s0 =	sor.u32 s1, s0  }
0xbf: {  	s0 =	sadd.s32 $0x8F2B, s0  }
0xc0: {  	[sflag:s0] =	ssyncadd.remote.s32 $0x1  }
0xc1: {  	_ =	sfence.sel $0xFFFF  }
0xc2: {  	[dreg:$0x0] =	wrdreg $0xFFFFFFFF;
	(pc) =	sbr.abs _section_cstart, $3  }
0xc3: {  	[dreg:$0x1] =	wrdreg $0xFFFFFFFF  }
0xc4: {  	_ =	task.clear_ibuf [dreg:s8], $0x2FFFF;
	_ =	strace $0x9FFFFFFF  }
0xc5: {  	(tm) =	ssettm $0x7FFFFFFF  }
tec
execute0_lowered:
.L_overlay_start_1:
0x0: {  	(tag) =	ssettag $0x1  }
0x1: {  	s1 =	rddreg [dreg:$0x0]  }
0x2: {  	s5 =	rddreg [dreg:$0x1]  }
0x3: {  	s6 =	rddreg [dreg:$0x2]  }
0x4: {  	s2 =	rddreg [dreg:$0x3]  }
0x5: {  	s0 =	rddreg [dreg:$0x4];
	s4 =	simm.s32 $0x0;
	s7 =	srdreg.scid  }
0x6: {  	s3 =	stileid.u32;
	s14 =	simm.s32 $0x100;
	s15 =	simm.s32 $0x1  }
0x7: {  	s16 =	simm.s32 $0x0;
	[smem:$0x7FF] =	sst s4;
	s7 =	sand.u32 $0x1, s7  }
0x8: {  	s8 =	sshll.u32 s3, $0xB;
	s10 =	sshll.u32 s3, $0xC;
	s30 =	sshll.u32 s3, $0xF  }
0x9: {  	s12 =	sshll.u32 s3, $0x6;
	_ =	strace $0x80000047;
	s9 =	ssub.s32 $0x2, s7  }
0xa: {  	s8 =	sadd.s32 s8, s5;
	s5 =	sadd.s32 s10, s5;
	s13 =	sshll.u32 s7, $0xA  }
0xb: {  	s7 =	sshll.u32 s7, $0x10;
	s10 =	sadd.s32 s6, s10;
	s6 =	sor.u32 $0x1C02, s12  }
0xc: {  	s12 =	simm.s32 $0x2;
	s11 =	sshrl.u32 s9, $0x1;
	s5 =	sadd.s32 $0x12200, s5  }
0xd: {  	s7 =	sadd.s32 s7, s10;
	s31 =	sadd.s32 s13, s8;
	s13 =	simm.s32 $0x80  }
0xe: {  	s9 =	ssub.s32 s9, s11;
	s11 =	sadd.s32 s30, s2;
	s10 =	sadd.s32 $0xA200, s31  }
0xf: {  	s8 =	smax.u32 s9, $0x1;
	s9 =	sadd.s32 $0x2200, s31;
	s11 =	sshrl.u32 s11, $0x3  }
.LBB2_1:
0x10: {  	[spmem:s11], [sflag:s6] =	dma.local [hbm:s5], $0x1000  }
0x11: {  	_ =	swait.ge [sflag:s12], $0x1000  }
0x12: {  	[sflag:s12] =	ssyncset.done $0x0  }
0x13: {  	[sflag:s12] =	ssyncadd.s32 $0xFFFFF000  }
0x14: {  	s17 =	sadd.s32 $0x0, s10;
	[bflag:$0x0] =	sbarrier.arrive $0xFFFF  }
0x15: {  	[tilespmem:s4], [sflag:$0x2] =	stream.linear.gather [hbm4b:s17+s4], $0x80, $0x38;
	[tilespmem:$0xC100] =	vst v63  }
0x16: {  	_ =	swait.ge [sflag:s12], $0x80  }
0x17: {  	[sflag:s12] =	ssyncset.done $0x0  }
0x18: {  	s31 =	sadd.s32 $0x0, s9;
	[sflag:s12] =	ssyncadd.s32 $0xFFFFFF80  }
0x19: {  	[tilespmem:s13], [sflag:$0x2] =	stream.linear.gather [hbm4b:s31+s4], $0x80, $0x38;
	[tilespmem:$0xC100] =	vst v63  }
0x1a: {  	_ =	swait.ge [sflag:s12], $0x80  }
0x1b: {  	[sflag:s12] =	ssyncset.done $0x0  }
0x1c: {  	[sflag:s12] =	ssyncadd.s32 $0xFFFFFF80  }
0x1d: {  	[tilespmem:s14], [sflag:$0x1] =	stream.indirect.gather [hbm4b:s1+s13], $0x80, s4, s13, $0xb8;
	[tilespmem:$0xC100] =	vst v63  }
0x1e: {  	_ =	swait.ge [sflag:s15], $0x4000  }
0x1f: {  	[sflag:s15] =	ssyncset.done $0x0  }
0x20: {  	[sflag:s15] =	ssyncadd.s32 $0xFFFFC000  }
0x21: {  	[spmem:s2] =	stream.indirect.scatter.add.f32 [tilespmem:s14], [sflag:$0x2], $0x80, s13, s13, $0xb8;
	[tilespmem:$0xC100] =	vst v63  }
0x22: {  	_ =	swait.ge [sflag:s12], $0x4000  }
0x23: {  	s18 =	simm.s32 $0x20;
	s17 =	simm.s32 $0x10;
	[sflag:s12] =	ssyncset.done $0x0  }
.LBB2_2:
0x24: {  	s19 =	sadd.s32 s17, s10  }
0x25: {  	[sflag:s12] =	ssyncadd.s32 $0xFFFFC000;
	s20 =	smov.u32 s18;
	s21 =	sadd.s32 $0x10, s18  }
0x26: {  	[tilespmem:s4], [sflag:$0x2] =	stream.linear.gather [hbm4b:s19+s4], $0x80, $0x38;
	[tilespmem:$0xC100] =	vst v63  }
0x27: {  	p0 =	sne.s32 s18, $0x3F0;
	_ =	swait.ge [sflag:s12], $0x80  }
0x28: {  	[sflag:s12] =	ssyncset.done $0x0  }
0x29: {  	s18 =	sadd.s32 s17, s9;
	s17 =	smov.u32 s20;
	[sflag:s12] =	ssyncadd.s32 $0xFFFFFF80  }
0x2a: {  	[tilespmem:s13], [sflag:$0x2] =	stream.linear.gather [hbm4b:s18+s4], $0x80, $0x38;
	[tilespmem:$0xC100] =	vst v63  }
0x2b: {  	_ =	swait.ge [sflag:s12], $0x80  }
0x2c: {  	[sflag:s12] =	ssyncset.done $0x0  }
0x2d: {  	[sflag:s12] =	ssyncadd.s32 $0xFFFFFF80  }
0x2e: {  	[tilespmem:s14], [sflag:$0x1] =	stream.indirect.gather [hbm4b:s1+s13], $0x80, s4, s13, $0xb8;
	[tilespmem:$0xC100] =	vst v63  }
0x2f: {  	_ =	swait.ge [sflag:s15], $0x4000  }
.Ltmp0:
0x30: {  	[sflag:s15] =	ssyncset.done $0x0;
	(pc) =	sbr.rel @p0 .LBB2_2-.Ltmp0, $4  }
0x31: {  	[sflag:s15] =	ssyncadd.s32 $0xFFFFC000  }
0x32: {  	[spmem:s2] =	stream.indirect.scatter.add.f32 [tilespmem:s14], [sflag:$0x2], $0x80, s13, s13, $0xb8;
	[tilespmem:$0xC100] =	vst v63  }
0x33: {  	_ =	swait.ge [sflag:s12], $0x4000  }
0x34: {  	s18 =	smov.u32 s21;
	[sflag:s12] =	ssyncset.done $0x0  }
0x35: {  	s18 =	sadd.s32 s17, s10;
	[sflag:s12] =	ssyncadd.s32 $0xFFFFC000  }
0x36: {  	[tilespmem:s4], [sflag:$0x2] =	stream.linear.gather [hbm4b:s18+s4], $0x80, $0x38;
	[tilespmem:$0xC100] =	vst v63  }
0x37: {  	_ =	swait.ge [sflag:s12], $0x80  }
0x38: {  	[sflag:s12] =	ssyncset.done $0x0  }
0x39: {  	s31 =	sadd.s32 s17, s9;
	[sflag:s12] =	ssyncadd.s32 $0xFFFFFF80  }
0x3a: {  	[tilespmem:s13], [sflag:$0x2] =	stream.linear.gather [hbm4b:s31+s4], $0x80, $0x38;
	[tilespmem:$0xC100] =	vst v63  }
0x3b: {  	_ =	swait.ge [sflag:s12], $0x80  }
0x3c: {  	[sflag:s12] =	ssyncset.done $0x0  }
0x3d: {  	[sflag:s12] =	ssyncadd.s32 $0xFFFFFF80  }
0x3e: {  	[tilespmem:s14], [sflag:$0x1] =	stream.indirect.gather [hbm4b:s1+s13], $0x80, s4, s13, $0xb8;
	[tilespmem:$0xC100] =	vst v63  }
0x3f: {  	_ =	swait.ge [sflag:s15], $0x4000  }
0x40: {  	[sflag:s15] =	ssyncset.done $0x0  }
0x41: {  	[sflag:s15] =	ssyncadd.s32 $0xFFFFC000  }
0x42: {  	[spmem:s2] =	stream.indirect.scatter.add.f32 [tilespmem:s14], [sflag:$0x2], $0x80, s13, s13, $0xb8;
	[tilespmem:$0xC100] =	vst v63  }
0x43: {  	_ =	swait.ge [sflag:s12], $0x4000  }
0x44: {  	s16 =	sadd.s32 $0x1, s16;
	[sflag:s12] =	ssyncset.done $0x0  }
0x45: {  	p0 =	sne.s32 s16, s8;
	[sflag:s12] =	ssyncadd.s32 $0xFFFFC000  }
.Ltmp1:
0x46: {  	[bflag:$0x0] =	sbarrier.arrive $0xFFFF;
	(pc) =	sbr.rel @p0 .LBB2_1-.Ltmp1, $4  }
0x47: {  	[hbm:s7], [sflag:s6] =	dma.local [spmem:s11], $0x1000  }
0x48: {  	_ =	swait.ge [sflag:s12], $0x1000  }
0x49: {  	[sflag:s12] =	ssyncset.done $0x0  }
0x4a: {  	[sflag:s12] =	ssyncadd.s32 $0xFFFFF000  }
0x4b: {  	_ =	sfence.sel $0x180000  }
0x4c: {  	[bflag:$0x0] =	sbarrier.arrive $0xFFFF  }
0x4d: {  	p0 =	sne.s32 s3, $0x0;
	_ =	strace $0x90000047  }
0x4e: {  	s0 =	sadd.s32 @!p0 $0x100000, s0;
	[bflag:$0x2] =	sbarrier.arrive $0xFFFF  }
0x4f: {  	[sflag:s0] =	ssyncadd.tile.s32 @!p0 $0x1;
	_ =	shalt  }
.Lfunc_end2:
_tile_overlayer_lowered:
.L_overlay_start_2:
0x50: {  	(tag) =	ssettag $0x2  }
0x51: {  	s0 =	rddreg [dreg:$0x0];
	s2 =	stileid.u32  }
0x52: {  	s1 =	rddreg [dreg:$0x1];
	p0 =	sne.s32 s2, $0x0  }
0x53: {  	s3 =	rddreg [dreg:$0x2];
	[bflag:$0x3] =	sbarrier.arrive $0xFFFF;
	s2 =	simm.s32 @!p0 $0x1C02  }
0x54: {  	[timem:s3], [sflag:s2] =	dma.local @!p0 [hbm:s0], s1  }
0x55: {  	s0 =	simm.s32 @!p0 $0x2  }
0x56: {  	_ =	swait.ge @!p0 [sflag:s0], s1  }
0x57: {  	s1 =	ssub.s32 @!p0 $0x0, s1;
	[sflag:s0] =	ssyncset.done @!p0 $0x0  }
0x58: {  	[sflag:s0] =	ssyncadd.s32 @!p0 s1  }
0x59: {  	[bflag:$0x3] =	sbarrier.arrive $0xFFFF  }
0x5a: {  	_ =	shalt  }

</sc_bundles>
